<compile_context>
chip_gen: v7x
topology: tpu7x:2x2x1
jax: 0.10.2.dev20260603
libtpu: 0.0.44.dev20260713+nightly
codegen_flags: <defaults>
</compile_context>

<pallas_src>
import functools

import jax
import jax.numpy as jnp
from jax import lax
from jax.experimental import pallas as pl
from jax.experimental.pallas import tpu as pltpu
from jax.experimental.pallas import tpu_sc as plsc

DIM_ = 2048
NE_ = 64
NG_ = 8
GS_ = NE_ // NG_
TKG_ = 4
TK_ = 8
T_ = 8192

NC_ = 2
NS_ = 16
NW_ = NC_ * NS_
TPW_ = T_ // NW_
L_ = 16
CHUNKS_ = TPW_ // L_

BT_ = 1024


def _scores_body(w_ref, x_ref, o_ref):
    s = lax.dot_general(
        w_ref[...], x_ref[...], (((1,), (1,)), ((), ())),
        preferred_element_type=jnp.float32,
        precision=lax.Precision.DEFAULT,
    )
    m = jnp.max(s, axis=0, keepdims=True)
    p = jnp.exp(s - m)
    p = p / jnp.sum(p, axis=0, keepdims=True)
    gmr = [jnp.max(p[g * GS_:(g + 1) * GS_], axis=0, keepdims=True)
           for g in range(NG_)]
    ninf_row = jnp.full((1, BT_), -jnp.inf, jnp.float32)
    keepr = [ninf_row] * NG_
    for _ in range(TKG_):
        mm = functools.reduce(jnp.maximum, gmr)
        found = jnp.zeros((1, BT_), jnp.int32)
        for g in range(NG_):
            eq = jnp.logical_and(gmr[g] == mm, found == 0)
            keepr[g] = jnp.where(eq, 0.0, keepr[g])
            found = jnp.where(eq, 1, found)
            gmr[g] = jnp.where(eq, ninf_row, gmr[g])
    pb = lax.bitcast_convert_type(p, jnp.int32)
    eidx = lax.broadcasted_iota(jnp.int32, (NE_, BT_), 0)
    kbits = jnp.bitwise_or(jnp.bitwise_and(pb, ~63), 63 - eidx)
    keepx = jnp.concatenate(
        [jnp.broadcast_to(keepr[g], (GS_, BT_)) for g in range(NG_)], axis=0)
    o_ref[...] = lax.bitcast_convert_type(kbits, jnp.float32) + keepx


def _scores_tc(x, weight):
    ts = x.shape[0]
    return pl.pallas_call(
        _scores_body,
        grid=(ts // BT_,),
        in_specs=[
            pl.BlockSpec((NE_, DIM_), lambda i: (0, 0)),
            pl.BlockSpec((BT_, DIM_), lambda i: (i, 0)),
        ],
        out_specs=pl.BlockSpec((NE_, BT_), lambda i: (0, i)),
        out_shape=jax.ShapeDtypeStruct((NE_, ts), jnp.float32),
    )(weight, x)


def _route_body(tpw, sT_hbm, wT_hbm, iT_hbm, s_v, w_v, i_v, sem):
    wid = lax.axis_index("s") * NC_ + lax.axis_index("c")
    base = wid * tpw
    half = tpw // 2
    pltpu.sync_copy(sT_hbm.at[:, pl.ds(base, half)], s_v.at[:, pl.ds(0, half)])
    cp2 = pltpu.async_copy(sT_hbm.at[:, pl.ds(base + half, half)],
                           s_v.at[:, pl.ds(half, half)], sem)
    ninf = jnp.full((L_,), -jnp.inf, jnp.float32)
    c63 = jnp.full((L_,), 63, jnp.int32)
    cm64 = jnp.full((L_,), ~63, jnp.int32)

    def chunk(c, carry):
        t0 = pl.multiple_of(c * L_, L_)
        def octet(ee, bs):
            bs = list(bs)
            for j in range(GS_):
                key = s_v[ee * GS_ + j, pl.ds(t0, L_)]
                for k in range(TK_ - 1, 0, -1):
                    bs[k] = jnp.maximum(bs[k], jnp.minimum(bs[k - 1], key))
                bs[0] = jnp.maximum(bs[0], key)
            return tuple(bs)

        b = lax.fori_loop(0, NE_ // GS_, octet, (ninf,) * TK_)
        for r in range(TK_):
            bb = lax.bitcast_convert_type(b[r], jnp.int32)
            w_v[r, pl.ds(t0, L_)] = lax.bitcast_convert_type(
                jnp.bitwise_and(bb, cm64), jnp.float32)
            i_v[r, pl.ds(t0, L_)] = c63 - jnp.bitwise_and(bb, c63)
        return carry

    lax.fori_loop(0, half // L_, chunk, 0)
    cp2.wait()
    lax.fori_loop(half // L_, tpw // L_, chunk, 0)
    pltpu.sync_copy(w_v, wT_hbm.at[:, pl.ds(base, tpw)])
    pltpu.sync_copy(i_v, iT_hbm.at[:, pl.ds(base, tpw)])


def _route_sc(scores_t):
    ts = scores_t.shape[1]
    tpw = ts // NW_
    mesh = plsc.VectorSubcoreMesh(core_axis_name="c", subcore_axis_name="s")
    f = functools.partial(
        pl.kernel,
        mesh=mesh,
        out_type=[
            jax.ShapeDtypeStruct((TK_, ts), jnp.float32),
            jax.ShapeDtypeStruct((TK_, ts), jnp.int32),
        ],
        scratch_types=[
            pltpu.VMEM((NE_, tpw), jnp.float32),
            pltpu.VMEM((TK_, tpw), jnp.float32),
            pltpu.VMEM((TK_, tpw), jnp.int32),
            pltpu.SemaphoreType.DMA,
        ],
    )(functools.partial(_route_body, tpw))
    return f(scores_t)


NSLICE_ = 1


def kernel(x, weight):
    outs = []
    ts = T_ // NSLICE_
    for s in range(NSLICE_):
        st = _scores_tc(lax.slice_in_dim(x, s * ts, (s + 1) * ts, axis=0),
                        weight)
        outs.append(_route_sc(st))
    if NSLICE_ == 1:
        w_t, i_t = outs[0]
    else:
        w_t = jnp.concatenate([o[0] for o in outs], axis=1)
        i_t = jnp.concatenate([o[1] for o in outs], axis=1)
    return (w_t.T, i_t.T)

# --- scband reference (transcript-rebuilt; emitter-appended) ---
"""Pipeline reference for scband-ref-gate-2911987827144 (READ-ONLY COPY).

The authoritative reference and input builder live on the scoring server;
editing this copy changes nothing except your own understanding.
"""

import jax, jax.numpy as jnp
import numpy as np

DIM = 2048
N_EXPERTS = 64
TOPK = 8
N_GROUPS = 8
TOPK_GROUPS = 4
ROUTE_SCALE = 1.0
N_TOKENS = 8192


def setup_inputs(seed: int = 0) -> dict:
    key = jax.random.key(seed)
    k1, k2 = jax.random.split(key)
    x = jax.random.normal(k1, (N_TOKENS, DIM), dtype=jnp.float32)
    # gate weight parameter (n_experts, dim); dim != 7168 so bias is None
    weight = jax.random.normal(k2, (N_EXPERTS, DIM), dtype=jnp.float32) * 0.02
    return {"x": x, "weight": weight}


def reference(x, weight):
    T = x.shape[0]
    scores = x.astype(jnp.float32) @ weight.astype(jnp.float32).T
    # score_func == 'softmax'
    scores = jax.nn.softmax(scores, axis=-1)
    original_scores = scores
    # bias is None (dim != 7168), so no bias add
    # n_groups > 1 path
    s = scores.reshape(T, N_GROUPS, -1)
    # bias is None -> group_scores = amax over experts in group
    group_scores = s.max(axis=-1)
    _, gidx = jax.lax.top_k(group_scores, TOPK_GROUPS)  # sorted=True semantics
    mask = jnp.ones((T, N_GROUPS), dtype=bool).at[jnp.arange(T)[:, None], gidx].set(False)
    s = jnp.where(mask[:, :, None], -jnp.inf, s).reshape(T, -1)
    _, indices = jax.lax.top_k(s, TOPK)
    weights = jnp.take_along_axis(original_scores, indices, axis=1)
    # score_func == 'softmax' -> no sigmoid renormalization
    weights = weights * ROUTE_SCALE
    return (weights, indices)

if __name__ == "__main__":
    import jax
    _d = setup_inputs()
    print(jax.jit(kernel)(*tuple(_d.values())))

</pallas_src>

<mosaic_0001>
#map = affine_map<(d0, d1) -> (0, 0)>
module attributes {stable_mosaic.version = 14 : i64} {
  func.func @_route_body(%arg0: i32, %arg1: i32, %arg2: memref<64x8192xf32, #tpu.memory_space<hbm>>, %arg3: memref<8x8192xf32, #tpu.memory_space<hbm>>, %arg4: memref<8x8192xi32, #tpu.memory_space<hbm>>, %arg5: memref<64x256xf32, #tpu.memory_space<vmem>>, %arg6: memref<8x256xf32, #tpu.memory_space<vmem>>, %arg7: memref<8x256xi32, #tpu.memory_space<vmem>>, %arg8: memref<!tpu.dma_semaphore, #tpu.memory_space<semaphore_mem>>) attributes {dimension_semantics = [#tpu.dimension_semantics<core_parallel>, #tpu.dimension_semantics<subcore_parallel>], iteration_bounds = array<i64: 2, 16>, scalar_prefetch = 0 : i64, scratch_operands = 4 : i64, tpu.core_type = #tpu.core_type<sc_vector_subcore>, window_params = [{transform_indices = #map}, {transform_indices = #map}, {transform_indices = #map}]} {
    %mul3A = arith.constant 2 : i32
    %mul3A_0 = arith.muli %arg1, %mul3A : i32
    %add3A = arith.addi %mul3A_0, %arg0 : i32
    %mul3A_1 = arith.constant 256 : i32
    %mul3A_2 = arith.muli %add3A, %mul3A_1 : i32
    "tpu.region"() ({
      %run_scoped3A = tpu.sem_alloc : memref<!tpu.dma_semaphore, #tpu.memory_space<semaphore_mem>>
      %dma_start3A_39 = arith.constant 0 : i32
      %dma_start3A_40 = arith.constant 0 : i32
      %dma_start3A_41 = tpu.memref_slice %arg5[%dma_start3A_39, %dma_start3A_40] : memref<64x256xf32, #tpu.memory_space<vmem>> -> memref<64x128xf32, #tpu.memory_space<vmem>>
      %dma_start3A_42 = arith.constant 0 : i32
      %dma_start3A_43 = tpu.memref_slice %arg2[%dma_start3A_42, %mul3A_2] : memref<64x8192xf32, #tpu.memory_space<hbm>> -> memref<64x128xf32, #tpu.memory_space<hbm>>
      %dma_start3A_44 = arith.constant 0 : i32
      %dma_start3A_45 = arith.constant 0 : i32
      %dma_start3A_46 = tpu.memref_slice %arg5[%dma_start3A_44, %dma_start3A_45] : memref<64x256xf32, #tpu.memory_space<vmem>> -> memref<64x128xf32, #tpu.memory_space<vmem>>
      %dma_start3A_47 = arith.constant 0 : i32
      %dma_start3A_48 = tpu.memref_slice %arg2[%dma_start3A_47, %mul3A_2] : memref<64x8192xf32, #tpu.memory_space<hbm>> -> memref<64x128xf32, #tpu.memory_space<hbm>>
      tpu.enqueue_dma source(%dma_start3A_48 : memref<64x128xf32, #tpu.memory_space<hbm>>) target(%dma_start3A_46 : memref<64x128xf32, #tpu.memory_space<vmem>>) target_semaphore(%run_scoped3A : memref<!tpu.dma_semaphore, #tpu.memory_space<semaphore_mem>>)
      %dma_wait3A_49 = arith.constant 0 : i32
      %dma_wait3A_50 = arith.constant 0 : i32
      %dma_wait3A_51 = tpu.memref_slice %arg5[%dma_wait3A_49, %dma_wait3A_50] : memref<64x256xf32, #tpu.memory_space<vmem>> -> memref<64x128xf32, #tpu.memory_space<vmem>>
      %dma_wait3A_52 = arith.constant 0 : i32
      %dma_wait3A_53 = tpu.memref_slice %arg2[%dma_wait3A_52, %mul3A_2] : memref<64x8192xf32, #tpu.memory_space<hbm>> -> memref<64x128xf32, #tpu.memory_space<hbm>>
      %dma_wait3A_54 = arith.constant 0 : i32
      %dma_wait3A_55 = arith.constant 0 : i32
      %dma_wait3A_56 = tpu.memref_slice %arg5[%dma_wait3A_54, %dma_wait3A_55] : memref<64x256xf32, #tpu.memory_space<vmem>> -> memref<64x128xf32, #tpu.memory_space<vmem>>
      %dma_wait3A_57 = arith.constant 0 : i32
      %dma_wait3A_58 = tpu.memref_slice %arg2[%dma_wait3A_57, %mul3A_2] : memref<64x8192xf32, #tpu.memory_space<hbm>> -> memref<64x128xf32, #tpu.memory_space<hbm>>
      tpu.wait_dma2 semaphore(%run_scoped3A : memref<!tpu.dma_semaphore, #tpu.memory_space<semaphore_mem>>) src(%dma_wait3A_58 : memref<64x128xf32, #tpu.memory_space<hbm>>) dst(%dma_wait3A_56 : memref<64x128xf32, #tpu.memory_space<vmem>>)
      tpu.yield
    }) : () -> ()
    %add3A_3 = arith.constant 128 : i32
    %add3A_4 = arith.addi %mul3A_2, %add3A_3 : i32
    %dma_start3A = arith.constant 0 : i32
    %dma_start3A_5 = arith.constant 128 : i32
    %dma_start3A_6 = tpu.memref_slice %arg5[%dma_start3A, %dma_start3A_5] : memref<64x256xf32, #tpu.memory_space<vmem>> -> memref<64x128xf32, #tpu.memory_space<vmem>>
    %dma_start3A_7 = arith.constant 0 : i32
    %dma_start3A_8 = tpu.memref_slice %arg2[%dma_start3A_7, %add3A_4] : memref<64x8192xf32, #tpu.memory_space<hbm>> -> memref<64x128xf32, #tpu.memory_space<hbm>>
    %dma_start3A_9 = arith.constant 0 : i32
    %dma_start3A_10 = arith.constant 128 : i32
    %dma_start3A_11 = tpu.memref_slice %arg5[%dma_start3A_9, %dma_start3A_10] : memref<64x256xf32, #tpu.memory_space<vmem>> -> memref<64x128xf32, #tpu.memory_space<vmem>>
    %dma_start3A_12 = arith.constant 0 : i32
    %dma_start3A_13 = tpu.memref_slice %arg2[%dma_start3A_12, %add3A_4] : memref<64x8192xf32, #tpu.memory_space<hbm>> -> memref<64x128xf32, #tpu.memory_space<hbm>>
    tpu.enqueue_dma source(%dma_start3A_13 : memref<64x128xf32, #tpu.memory_space<hbm>>) target(%dma_start3A_11 : memref<64x128xf32, #tpu.memory_space<vmem>>) target_semaphore(%arg8 : memref<!tpu.dma_semaphore, #tpu.memory_space<semaphore_mem>>)
    %broadcast_in_dim3A = arith.constant 0xFF800000 : f32
    %broadcast_in_dim3A_14 = vector.broadcast %broadcast_in_dim3A : f32 to vector<16xf32>
    %broadcast_in_dim3A_15 = arith.constant 63 : i32
    %broadcast_in_dim3A_16 = vector.broadcast %broadcast_in_dim3A_15 : i32 to vector<16xi32>
    %broadcast_in_dim3A_17 = arith.constant -64 : i32
    %broadcast_in_dim3A_18 = vector.broadcast %broadcast_in_dim3A_17 : i32 to vector<16xi32>
    %scan3A = arith.constant 0 : i32
    %scan3A_19 = arith.constant 0 : i32
    %scan3A_20 = arith.constant 8 : i32
    %scan3A_21 = arith.addi %scan3A_19, %scan3A_20 : i32
    %scan3A_22 = arith.constant 1 : i32
    scf.for %scan3A_39 = %scan3A_19 to %scan3A_21 step %scan3A_22  : i32 {
      %mul3A_40 = arith.constant 16 : i32
      %mul3A_41 = arith.muli %scan3A_39, %mul3A_40 : i32
      %multiple_of3A = tpu.assume_multiple %mul3A_41, 16 : i32
      %scan3A_42 = arith.constant 0 : i32
      %scan3A_43 = arith.constant 8 : i32
      %scan3A_44 = arith.addi %scan3A_42, %scan3A_43 : i32
      %scan3A_45 = arith.constant 1 : i32
      %scan3A_46:8 = scf.for %scan3A_180 = %scan3A_42 to %scan3A_44 step %scan3A_45 iter_args(%scan3A_181 = %broadcast_in_dim3A_14, %scan3A_182 = %broadcast_in_dim3A_14, %scan3A_183 = %broadcast_in_dim3A_14, %scan3A_184 = %broadcast_in_dim3A_14, %scan3A_185 = %broadcast_in_dim3A_14, %scan3A_186 = %broadcast_in_dim3A_14, %scan3A_187 = %broadcast_in_dim3A_14, %scan3A_188 = %broadcast_in_dim3A_14) -> (vector<16xf32>, vector<16xf32>, vector<16xf32>, vector<16xf32>, vector<16xf32>, vector<16xf32>, vector<16xf32>, vector<16xf32>)  : i32 {
        %mul3A_189 = arith.constant 8 : i32
        %mul3A_190 = arith.muli %scan3A_180, %mul3A_189 : i32
        %add3A_191 = arith.constant 0 : i32
        %add3A_192 = arith.addi %mul3A_190, %add3A_191 : i32
        %get3A = arith.index_cast %add3A_192 : i32 to index
        %get3A_193 = arith.index_cast %multiple_of3A : i32 to index
        %get3A_194 = tpu.vector_load %arg5[%get3A, %get3A_193] {strides = array<i32>} : memref<64x256xf32, #tpu.memory_space<vmem>>, vector<1x16xf32>,
        %get3A_195 = vector.shape_cast %get3A_194 : vector<1x16xf32> to vector<16xf32>
        %min3A = arith.minimumf %scan3A_187, %get3A_195 : vector<16xf32>
        %max3A = arith.maximumf %scan3A_188, %min3A : vector<16xf32>
        %min3A_196 = arith.minimumf %scan3A_186, %get3A_195 : vector<16xf32>
        %max3A_197 = arith.maximumf %scan3A_187, %min3A_196 : vector<16xf32>
        %min3A_198 = arith.minimumf %scan3A_185, %get3A_195 : vector<16xf32>
        %max3A_199 = arith.maximumf %scan3A_186, %min3A_198 : vector<16xf32>
        %min3A_200 = arith.minimumf %scan3A_184, %get3A_195 : vector<16xf32>
        %max3A_201 = arith.maximumf %scan3A_185, %min3A_200 : vector<16xf32>
        %min3A_202 = arith.minimumf %scan3A_183, %get3A_195 : vector<16xf32>
        %max3A_203 = arith.maximumf %scan3A_184, %min3A_202 : vector<16xf32>
        %min3A_204 = arith.minimumf %scan3A_182, %get3A_195 : vector<16xf32>
        %max3A_205 = arith.maximumf %scan3A_183, %min3A_204 : vector<16xf32>
        %min3A_206 = arith.minimumf %scan3A_181, %get3A_195 : vector<16xf32>
        %max3A_207 = arith.maximumf %scan3A_182, %min3A_206 : vector<16xf32>
        %max3A_208 = arith.maximumf %scan3A_181, %get3A_195 : vector<16xf32>
        %mul3A_209 = arith.constant 8 : i32
        %mul3A_210 = arith.muli %scan3A_180, %mul3A_209 : i32
        %add3A_211 = arith.constant 1 : i32
        %add3A_212 = arith.addi %mul3A_210, %add3A_211 : i32
        %get3A_213 = arith.index_cast %add3A_212 : i32 to index
        %get3A_214 = arith.index_cast %multiple_of3A : i32 to index
        %get3A_215 = tpu.vector_load %arg5[%get3A_213, %get3A_214] {strides = array<i32>} : memref<64x256xf32, #tpu.memory_space<vmem>>, vector<1x16xf32>,
        %get3A_216 = vector.shape_cast %get3A_215 : vector<1x16xf32> to vector<16xf32>
        %min3A_217 = arith.minimumf %max3A_197, %get3A_216 : vector<16xf32>
        %max3A_218 = arith.maximumf %max3A, %min3A_217 : vector<16xf32>
        %min3A_219 = arith.minimumf %max3A_199, %get3A_216 : vector<16xf32>
        %max3A_220 = arith.maximumf %max3A_197, %min3A_219 : vector<16xf32>
        %min3A_221 = arith.minimumf %max3A_201, %get3A_216 : vector<16xf32>
        %max3A_222 = arith.maximumf %max3A_199, %min3A_221 : vector<16xf32>
        %min3A_223 = arith.minimumf %max3A_203, %get3A_216 : vector<16xf32>
        %max3A_224 = arith.maximumf %max3A_201, %min3A_223 : vector<16xf32>
        %min3A_225 = arith.minimumf %max3A_205, %get3A_216 : vector<16xf32>
        %max3A_226 = arith.maximumf %max3A_203, %min3A_225 : vector<16xf32>
        %min3A_227 = arith.minimumf %max3A_207, %get3A_216 : vector<16xf32>
        %max3A_228 = arith.maximumf %max3A_205, %min3A_227 : vector<16xf32>
        %min3A_229 = arith.minimumf %max3A_208, %get3A_216 : vector<16xf32>
        %max3A_230 = arith.maximumf %max3A_207, %min3A_229 : vector<16xf32>
        %max3A_231 = arith.maximumf %max3A_208, %get3A_216 : vector<16xf32>
        %mul3A_232 = arith.constant 8 : i32
        %mul3A_233 = arith.muli %scan3A_180, %mul3A_232 : i32
        %add3A_234 = arith.constant 2 : i32
        %add3A_235 = arith.addi %mul3A_233, %add3A_234 : i32
        %get3A_236 = arith.index_cast %add3A_235 : i32 to index
        %get3A_237 = arith.index_cast %multiple_of3A : i32 to index
        %get3A_238 = tpu.vector_load %arg5[%get3A_236, %get3A_237] {strides = array<i32>} : memref<64x256xf32, #tpu.memory_space<vmem>>, vector<1x16xf32>,
        %get3A_239 = vector.shape_cast %get3A_238 : vector<1x16xf32> to vector<16xf32>
        %min3A_240 = arith.minimumf %max3A_220, %get3A_239 : vector<16xf32>
        %max3A_241 = arith.maximumf %max3A_218, %min3A_240 : vector<16xf32>
        %min3A_242 = arith.minimumf %max3A_222, %get3A_239 : vector<16xf32>
        %max3A_243 = arith.maximumf %max3A_220, %min3A_242 : vector<16xf32>
        %min3A_244 = arith.minimumf %max3A_224, %get3A_239 : vector<16xf32>
        %max3A_245 = arith.maximumf %max3A_222, %min3A_244 : vector<16xf32>
        %min3A_246 = arith.minimumf %max3A_226, %get3A_239 : vector<16xf32>
        %max3A_247 = arith.maximumf %max3A_224, %min3A_246 : vector<16xf32>
        %min3A_248 = arith.minimumf %max3A_228, %get3A_239 : vector<16xf32>
        %max3A_249 = arith.maximumf %max3A_226, %min3A_248 : vector<16xf32>
        %min3A_250 = arith.minimumf %max3A_230, %get3A_239 : vector<16xf32>
        %max3A_251 = arith.maximumf %max3A_228, %min3A_250 : vector<16xf32>
        %min3A_252 = arith.minimumf %max3A_231, %get3A_239 : vector<16xf32>
        %max3A_253 = arith.maximumf %max3A_230, %min3A_252 : vector<16xf32>
        %max3A_254 = arith.maximumf %max3A_231, %get3A_239 : vector<16xf32>
        %mul3A_255 = arith.constant 8 : i32
        %mul3A_256 = arith.muli %scan3A_180, %mul3A_255 : i32
        %add3A_257 = arith.constant 3 : i32
        %add3A_258 = arith.addi %mul3A_256, %add3A_257 : i32
        %get3A_259 = arith.index_cast %add3A_258 : i32 to index
        %get3A_260 = arith.index_cast %multiple_of3A : i32 to index
        %get3A_261 = tpu.vector_load %arg5[%get3A_259, %get3A_260] {strides = array<i32>} : memref<64x256xf32, #tpu.memory_space<vmem>>, vector<1x16xf32>,
        %get3A_262 = vector.shape_cast %get3A_261 : vector<1x16xf32> to vector<16xf32>
        %min3A_263 = arith.minimumf %max3A_243, %get3A_262 : vector<16xf32>
        %max3A_264 = arith.maximumf %max3A_241, %min3A_263 : vector<16xf32>
        %min3A_265 = arith.minimumf %max3A_245, %get3A_262 : vector<16xf32>
        %max3A_266 = arith.maximumf %max3A_243, %min3A_265 : vector<16xf32>
        %min3A_267 = arith.minimumf %max3A_247, %get3A_262 : vector<16xf32>
        %max3A_268 = arith.maximumf %max3A_245, %min3A_267 : vector<16xf32>
        %min3A_269 = arith.minimumf %max3A_249, %get3A_262 : vector<16xf32>
        %max3A_270 = arith.maximumf %max3A_247, %min3A_269 : vector<16xf32>
        %min3A_271 = arith.minimumf %max3A_251, %get3A_262 : vector<16xf32>
        %max3A_272 = arith.maximumf %max3A_249, %min3A_271 : vector<16xf32>
        %min3A_273 = arith.minimumf %max3A_253, %get3A_262 : vector<16xf32>
        %max3A_274 = arith.maximumf %max3A_251, %min3A_273 : vector<16xf32>
        %min3A_275 = arith.minimumf %max3A_254, %get3A_262 : vector<16xf32>
        %max3A_276 = arith.maximumf %max3A_253, %min3A_275 : vector<16xf32>
        %max3A_277 = arith.maximumf %max3A_254, %get3A_262 : vector<16xf32>
        %mul3A_278 = arith.constant 8 : i32
        %mul3A_279 = arith.muli %scan3A_180, %mul3A_278 : i32
        %add3A_280 = arith.constant 4 : i32
        %add3A_281 = arith.addi %mul3A_279, %add3A_280 : i32
        %get3A_282 = arith.index_cast %add3A_281 : i32 to index
        %get3A_283 = arith.index_cast %multiple_of3A : i32 to index
        %get3A_284 = tpu.vector_load %arg5[%get3A_282, %get3A_283] {strides = array<i32>} : memref<64x256xf32, #tpu.memory_space<vmem>>, vector<1x16xf32>,
        %get3A_285 = vector.shape_cast %get3A_284 : vector<1x16xf32> to vector<16xf32>
        %min3A_286 = arith.minimumf %max3A_266, %get3A_285 : vector<16xf32>
        %max3A_287 = arith.maximumf %max3A_264, %min3A_286 : vector<16xf32>
        %min3A_288 = arith.minimumf %max3A_268, %get3A_285 : vector<16xf32>
        %max3A_289 = arith.maximumf %max3A_266, %min3A_288 : vector<16xf32>
        %min3A_290 = arith.minimumf %max3A_270, %get3A_285 : vector<16xf32>
        %max3A_291 = arith.maximumf %max3A_268, %min3A_290 : vector<16xf32>
        %min3A_292 = arith.minimumf %max3A_272, %get3A_285 : vector<16xf32>
        %max3A_293 = arith.maximumf %max3A_270, %min3A_292 : vector<16xf32>
        %min3A_294 = arith.minimumf %max3A_274, %get3A_285 : vector<16xf32>
        %max3A_295 = arith.maximumf %max3A_272, %min3A_294 : vector<16xf32>
        %min3A_296 = arith.minimumf %max3A_276, %get3A_285 : vector<16xf32>
        %max3A_297 = arith.maximumf %max3A_274, %min3A_296 : vector<16xf32>
        %min3A_298 = arith.minimumf %max3A_277, %get3A_285 : vector<16xf32>
        %max3A_299 = arith.maximumf %max3A_276, %min3A_298 : vector<16xf32>
        %max3A_300 = arith.maximumf %max3A_277, %get3A_285 : vector<16xf32>
        %mul3A_301 = arith.constant 8 : i32
        %mul3A_302 = arith.muli %scan3A_180, %mul3A_301 : i32
        %add3A_303 = arith.constant 5 : i32
        %add3A_304 = arith.addi %mul3A_302, %add3A_303 : i32
        %get3A_305 = arith.index_cast %add3A_304 : i32 to index
        %get3A_306 = arith.index_cast %multiple_of3A : i32 to index
        %get3A_307 = tpu.vector_load %arg5[%get3A_305, %get3A_306] {strides = array<i32>} : memref<64x256xf32, #tpu.memory_space<vmem>>, vector<1x16xf32>,
        %get3A_308 = vector.shape_cast %get3A_307 : vector<1x16xf32> to vector<16xf32>
        %min3A_309 = arith.minimumf %max3A_289, %get3A_308 : vector<16xf32>
        %max3A_310 = arith.maximumf %max3A_287, %min3A_309 : vector<16xf32>
        %min3A_311 = arith.minimumf %max3A_291, %get3A_308 : vector<16xf32>
        %max3A_312 = arith.maximumf %max3A_289, %min3A_311 : vector<16xf32>
        %min3A_313 = arith.minimumf %max3A_293, %get3A_308 : vector<16xf32>
        %max3A_314 = arith.maximumf %max3A_291, %min3A_313 : vector<16xf32>
        %min3A_315 = arith.minimumf %max3A_295, %get3A_308 : vector<16xf32>
        %max3A_316 = arith.maximumf %max3A_293, %min3A_315 : vector<16xf32>
        %min3A_317 = arith.minimumf %max3A_297, %get3A_308 : vector<16xf32>
        %max3A_318 = arith.maximumf %max3A_295, %min3A_317 : vector<16xf32>
        %min3A_319 = arith.minimumf %max3A_299, %get3A_308 : vector<16xf32>
        %max3A_320 = arith.maximumf %max3A_297, %min3A_319 : vector<16xf32>
        %min3A_321 = arith.minimumf %max3A_300, %get3A_308 : vector<16xf32>
        %max3A_322 = arith.maximumf %max3A_299, %min3A_321 : vector<16xf32>
        %max3A_323 = arith.maximumf %max3A_300, %get3A_308 : vector<16xf32>
        %mul3A_324 = arith.constant 8 : i32
        %mul3A_325 = arith.muli %scan3A_180, %mul3A_324 : i32
        %add3A_326 = arith.constant 6 : i32
        %add3A_327 = arith.addi %mul3A_325, %add3A_326 : i32
        %get3A_328 = arith.index_cast %add3A_327 : i32 to index
        %get3A_329 = arith.index_cast %multiple_of3A : i32 to index
        %get3A_330 = tpu.vector_load %arg5[%get3A_328, %get3A_329] {strides = array<i32>} : memref<64x256xf32, #tpu.memory_space<vmem>>, vector<1x16xf32>,
        %get3A_331 = vector.shape_cast %get3A_330 : vector<1x16xf32> to vector<16xf32>
        %min3A_332 = arith.minimumf %max3A_312, %get3A_331 : vector<16xf32>
        %max3A_333 = arith.maximumf %max3A_310, %min3A_332 : vector<16xf32>
        %min3A_334 = arith.minimumf %max3A_314, %get3A_331 : vector<16xf32>
        %max3A_335 = arith.maximumf %max3A_312, %min3A_334 : vector<16xf32>
        %min3A_336 = arith.minimumf %max3A_316, %get3A_331 : vector<16xf32>
        %max3A_337 = arith.maximumf %max3A_314, %min3A_336 : vector<16xf32>
        %min3A_338 = arith.minimumf %max3A_318, %get3A_331 : vector<16xf32>
        %max3A_339 = arith.maximumf %max3A_316, %min3A_338 : vector<16xf32>
        %min3A_340 = arith.minimumf %max3A_320, %get3A_331 : vector<16xf32>
        %max3A_341 = arith.maximumf %max3A_318, %min3A_340 : vector<16xf32>
        %min3A_342 = arith.minimumf %max3A_322, %get3A_331 : vector<16xf32>
        %max3A_343 = arith.maximumf %max3A_320, %min3A_342 : vector<16xf32>
        %min3A_344 = arith.minimumf %max3A_323, %get3A_331 : vector<16xf32>
        %max3A_345 = arith.maximumf %max3A_322, %min3A_344 : vector<16xf32>
        %max3A_346 = arith.maximumf %max3A_323, %get3A_331 : vector<16xf32>
        %mul3A_347 = arith.constant 8 : i32
        %mul3A_348 = arith.muli %scan3A_180, %mul3A_347 : i32
        %add3A_349 = arith.constant 7 : i32
        %add3A_350 = arith.addi %mul3A_348, %add3A_349 : i32
        %get3A_351 = arith.index_cast %add3A_350 : i32 to index
        %get3A_352 = arith.index_cast %multiple_of3A : i32 to index
        %get3A_353 = tpu.vector_load %arg5[%get3A_351, %get3A_352] {strides = array<i32>} : memref<64x256xf32, #tpu.memory_space<vmem>>, vector<1x16xf32>,
        %get3A_354 = vector.shape_cast %get3A_353 : vector<1x16xf32> to vector<16xf32>
        %min3A_355 = arith.minimumf %max3A_335, %get3A_354 : vector<16xf32>
        %max3A_356 = arith.maximumf %max3A_333, %min3A_355 : vector<16xf32>
        %min3A_357 = arith.minimumf %max3A_337, %get3A_354 : vector<16xf32>
        %max3A_358 = arith.maximumf %max3A_335, %min3A_357 : vector<16xf32>
        %min3A_359 = arith.minimumf %max3A_339, %get3A_354 : vector<16xf32>
        %max3A_360 = arith.maximumf %max3A_337, %min3A_359 : vector<16xf32>
        %min3A_361 = arith.minimumf %max3A_341, %get3A_354 : vector<16xf32>
        %max3A_362 = arith.maximumf %max3A_339, %min3A_361 : vector<16xf32>
        %min3A_363 = arith.minimumf %max3A_343, %get3A_354 : vector<16xf32>
        %max3A_364 = arith.maximumf %max3A_341, %min3A_363 : vector<16xf32>
        %min3A_365 = arith.minimumf %max3A_345, %get3A_354 : vector<16xf32>
        %max3A_366 = arith.maximumf %max3A_343, %min3A_365 : vector<16xf32>
        %min3A_367 = arith.minimumf %max3A_346, %get3A_354 : vector<16xf32>
        %max3A_368 = arith.maximumf %max3A_345, %min3A_367 : vector<16xf32>
        %max3A_369 = arith.maximumf %max3A_346, %get3A_354 : vector<16xf32>
        scf.yield %max3A_369, %max3A_368, %max3A_366, %max3A_364, %max3A_362, %max3A_360, %max3A_358, %max3A_356 : vector<16xf32>, vector<16xf32>, vector<16xf32>, vector<16xf32>, vector<16xf32>, vector<16xf32>, vector<16xf32>, vector<16xf32>
      }
      %scan3A_47 = arith.constant 8 : i32
      %bitcast_convert_type3A = tpu.bitcast %scan3A_46#0 : vector<16xf32> -> vector<16xi32>
      %and3A = arith.andi %bitcast_convert_type3A, %broadcast_in_dim3A_18 : vector<16xi32>
      %bitcast_convert_type3A_48 = tpu.bitcast %and3A : vector<16xi32> -> vector<16xf32>
      %swap3A = arith.constant 0 : i32
      %swap3A_49 = arith.index_cast %swap3A : i32 to index
      %swap3A_50 = arith.index_cast %multiple_of3A : i32 to index
      %swap3A_51 = tpu.vector_load %arg6[%swap3A_49, %swap3A_50] {strides = array<i32>} : memref<8x256xf32, #tpu.memory_space<vmem>>, vector<1x16xf32>,
      %swap3A_52 = vector.shape_cast %swap3A_51 : vector<1x16xf32> to vector<16xf32>
      %swap3A_53 = vector.shape_cast %bitcast_convert_type3A_48 : vector<16xf32> to vector<1x16xf32>
      tpu.vector_store %arg6[%swap3A_49, %swap3A_50], %swap3A_53 {strides = array<i32>} : memref<8x256xf32, #tpu.memory_space<vmem>>, vector<1x16xf32>,
      %and3A_54 = arith.andi %bitcast_convert_type3A, %broadcast_in_dim3A_16 : vector<16xi32>
      %sub3A = arith.subi %broadcast_in_dim3A_16, %and3A_54 : vector<16xi32>
      %swap3A_55 = arith.constant 0 : i32
      %swap3A_56 = arith.index_cast %swap3A_55 : i32 to index
      %swap3A_57 = arith.index_cast %multiple_of3A : i32 to index
      %swap3A_58 = tpu.vector_load %arg7[%swap3A_56, %swap3A_57] {strides = array<i32>} : memref<8x256xi32, #tpu.memory_space<vmem>>, vector<1x16xi32>,
      %swap3A_59 = vector.shape_cast %swap3A_58 : vector<1x16xi32> to vector<16xi32>
      %swap3A_60 = vector.shape_cast %sub3A : vector<16xi32> to vector<1x16xi32>
      tpu.vector_store %arg7[%swap3A_56, %swap3A_57], %swap3A_60 {strides = array<i32>} : memref<8x256xi32, #tpu.memory_space<vmem>>, vector<1x16xi32>,
      %bitcast_convert_type3A_61 = tpu.bitcast %scan3A_46#1 : vector<16xf32> -> vector<16xi32>
      %and3A_62 = arith.andi %bitcast_convert_type3A_61, %broadcast_in_dim3A_18 : vector<16xi32>
      %bitcast_convert_type3A_63 = tpu.bitcast %and3A_62 : vector<16xi32> -> vector<16xf32>
      %swap3A_64 = arith.constant 1 : i32
      %swap3A_65 = arith.index_cast %swap3A_64 : i32 to index
      %swap3A_66 = arith.index_cast %multiple_of3A : i32 to index
      %swap3A_67 = tpu.vector_load %arg6[%swap3A_65, %swap3A_66] {strides = array<i32>} : memref<8x256xf32, #tpu.memory_space<vmem>>, vector<1x16xf32>,
      %swap3A_68 = vector.shape_cast %swap3A_67 : vector<1x16xf32> to vector<16xf32>
      %swap3A_69 = vector.shape_cast %bitcast_convert_type3A_63 : vector<16xf32> to vector<1x16xf32>
      tpu.vector_store %arg6[%swap3A_65, %swap3A_66], %swap3A_69 {strides = array<i32>} : memref<8x256xf32, #tpu.memory_space<vmem>>, vector<1x16xf32>,
      %and3A_70 = arith.andi %bitcast_convert_type3A_61, %broadcast_in_dim3A_16 : vector<16xi32>
      %sub3A_71 = arith.subi %broadcast_in_dim3A_16, %and3A_70 : vector<16xi32>
      %swap3A_72 = arith.constant 1 : i32
      %swap3A_73 = arith.index_cast %swap3A_72 : i32 to index
      %swap3A_74 = arith.index_cast %multiple_of3A : i32 to index
      %swap3A_75 = tpu.vector_load %arg7[%swap3A_73, %swap3A_74] {strides = array<i32>} : memref<8x256xi32, #tpu.memory_space<vmem>>, vector<1x16xi32>,
      %swap3A_76 = vector.shape_cast %swap3A_75 : vector<1x16xi32> to vector<16xi32>
      %swap3A_77 = vector.shape_cast %sub3A_71 : vector<16xi32> to vector<1x16xi32>
      tpu.vector_store %arg7[%swap3A_73, %swap3A_74], %swap3A_77 {strides = array<i32>} : memref<8x256xi32, #tpu.memory_space<vmem>>, vector<1x16xi32>,
      %bitcast_convert_type3A_78 = tpu.bitcast %scan3A_46#2 : vector<16xf32> -> vector<16xi32>
      %and3A_79 = arith.andi %bitcast_convert_type3A_78, %broadcast_in_dim3A_18 : vector<16xi32>
      %bitcast_convert_type3A_80 = tpu.bitcast %and3A_79 : vector<16xi32> -> vector<16xf32>
      %swap3A_81 = arith.constant 2 : i32
      %swap3A_82 = arith.index_cast %swap3A_81 : i32 to index
      %swap3A_83 = arith.index_cast %multiple_of3A : i32 to index
      %swap3A_84 = tpu.vector_load %arg6[%swap3A_82, %swap3A_83] {strides = array<i32>} : memref<8x256xf32, #tpu.memory_space<vmem>>, vector<1x16xf32>,
      %swap3A_85 = vector.shape_cast %swap3A_84 : vector<1x16xf32> to vector<16xf32>
      %swap3A_86 = vector.shape_cast %bitcast_convert_type3A_80 : vector<16xf32> to vector<1x16xf32>
      tpu.vector_store %arg6[%swap3A_82, %swap3A_83], %swap3A_86 {strides = array<i32>} : memref<8x256xf32, #tpu.memory_space<vmem>>, vector<1x16xf32>,
      %and3A_87 = arith.andi %bitcast_convert_type3A_78, %broadcast_in_dim3A_16 : vector<16xi32>
      %sub3A_88 = arith.subi %broadcast_in_dim3A_16, %and3A_87 : vector<16xi32>
      %swap3A_89 = arith.constant 2 : i32
      %swap3A_90 = arith.index_cast %swap3A_89 : i32 to index
      %swap3A_91 = arith.index_cast %multiple_of3A : i32 to index
      %swap3A_92 = tpu.vector_load %arg7[%swap3A_90, %swap3A_91] {strides = array<i32>} : memref<8x256xi32, #tpu.memory_space<vmem>>, vector<1x16xi32>,
      %swap3A_93 = vector.shape_cast %swap3A_92 : vector<1x16xi32> to vector<16xi32>
      %swap3A_94 = vector.shape_cast %sub3A_88 : vector<16xi32> to vector<1x16xi32>
      tpu.vector_store %arg7[%swap3A_90, %swap3A_91], %swap3A_94 {strides = array<i32>} : memref<8x256xi32, #tpu.memory_space<vmem>>, vector<1x16xi32>,
      %bitcast_convert_type3A_95 = tpu.bitcast %scan3A_46#3 : vector<16xf32> -> vector<16xi32>
      %and3A_96 = arith.andi %bitcast_convert_type3A_95, %broadcast_in_dim3A_18 : vector<16xi32>
      %bitcast_convert_type3A_97 = tpu.bitcast %and3A_96 : vector<16xi32> -> vector<16xf32>
      %swap3A_98 = arith.constant 3 : i32
      %swap3A_99 = arith.index_cast %swap3A_98 : i32 to index
      %swap3A_100 = arith.index_cast %multiple_of3A : i32 to index
      %swap3A_101 = tpu.vector_load %arg6[%swap3A_99, %swap3A_100] {strides = array<i32>} : memref<8x256xf32, #tpu.memory_space<vmem>>, vector<1x16xf32>,
      %swap3A_102 = vector.shape_cast %swap3A_101 : vector<1x16xf32> to vector<16xf32>
      %swap3A_103 = vector.shape_cast %bitcast_convert_type3A_97 : vector<16xf32> to vector<1x16xf32>
      tpu.vector_store %arg6[%swap3A_99, %swap3A_100], %swap3A_103 {strides = array<i32>} : memref<8x256xf32, #tpu.memory_space<vmem>>, vector<1x16xf32>,
      %and3A_104 = arith.andi %bitcast_convert_type3A_95, %broadcast_in_dim3A_16 : vector<16xi32>
      %sub3A_105 = arith.subi %broadcast_in_dim3A_16, %and3A_104 : vector<16xi32>
      %swap3A_106 = arith.constant 3 : i32
      %swap3A_107 = arith.index_cast %swap3A_106 : i32 to index
      %swap3A_108 = arith.index_cast %multiple_of3A : i32 to index
      %swap3A_109 = tpu.vector_load %arg7[%swap3A_107, %swap3A_108] {strides = array<i32>} : memref<8x256xi32, #tpu.memory_space<vmem>>, vector<1x16xi32>,
      %swap3A_110 = vector.shape_cast %swap3A_109 : vector<1x16xi32> to vector<16xi32>
      %swap3A_111 = vector.shape_cast %sub3A_105 : vector<16xi32> to vector<1x16xi32>
      tpu.vector_store %arg7[%swap3A_107, %swap3A_108], %swap3A_111 {strides = array<i32>} : memref<8x256xi32, #tpu.memory_space<vmem>>, vector<1x16xi32>,
      %bitcast_convert_type3A_112 = tpu.bitcast %scan3A_46#4 : vector<16xf32> -> vector<16xi32>
      %and3A_113 = arith.andi %bitcast_convert_type3A_112, %broadcast_in_dim3A_18 : vector<16xi32>
      %bitcast_convert_type3A_114 = tpu.bitcast %and3A_113 : vector<16xi32> -> vector<16xf32>
      %swap3A_115 = arith.constant 4 : i32
      %swap3A_116 = arith.index_cast %swap3A_115 : i32 to index
      %swap3A_117 = arith.index_cast %multiple_of3A : i32 to index
      %swap3A_118 = tpu.vector_load %arg6[%swap3A_116, %swap3A_117] {strides = array<i32>} : memref<8x256xf32, #tpu.memory_space<vmem>>, vector<1x16xf32>,
      %swap3A_119 = vector.shape_cast %swap3A_118 : vector<1x16xf32> to vector<16xf32>
      %swap3A_120 = vector.shape_cast %bitcast_convert_type3A_114 : vector<16xf32> to vector<1x16xf32>
      tpu.vector_store %arg6[%swap3A_116, %swap3A_117], %swap3A_120 {strides = array<i32>} : memref<8x256xf32, #tpu.memory_space<vmem>>, vector<1x16xf32>,
      %and3A_121 = arith.andi %bitcast_convert_type3A_112, %broadcast_in_dim3A_16 : vector<16xi32>
      %sub3A_122 = arith.subi %broadcast_in_dim3A_16, %and3A_121 : vector<16xi32>
      %swap3A_123 = arith.constant 4 : i32
      %swap3A_124 = arith.index_cast %swap3A_123 : i32 to index
      %swap3A_125 = arith.index_cast %multiple_of3A : i32 to index
      %swap3A_126 = tpu.vector_load %arg7[%swap3A_124, %swap3A_125] {strides = array<i32>} : memref<8x256xi32, #tpu.memory_space<vmem>>, vector<1x16xi32>,
      %swap3A_127 = vector.shape_cast %swap3A_126 : vector<1x16xi32> to vector<16xi32>
      %swap3A_128 = vector.shape_cast %sub3A_122 : vector<16xi32> to vector<1x16xi32>
      tpu.vector_store %arg7[%swap3A_124, %swap3A_125], %swap3A_128 {strides = array<i32>} : memref<8x256xi32, #tpu.memory_space<vmem>>, vector<1x16xi32>,
      %bitcast_convert_type3A_129 = tpu.bitcast %scan3A_46#5 : vector<16xf32> -> vector<16xi32>
      %and3A_130 = arith.andi %bitcast_convert_type3A_129, %broadcast_in_dim3A_18 : vector<16xi32>
      %bitcast_convert_type3A_131 = tpu.bitcast %and3A_130 : vector<16xi32> -> vector<16xf32>
      %swap3A_132 = arith.constant 5 : i32
      %swap3A_133 = arith.index_cast %swap3A_132 : i32 to index
      %swap3A_134 = arith.index_cast %multiple_of3A : i32 to index
      %swap3A_135 = tpu.vector_load %arg6[%swap3A_133, %swap3A_134] {strides = array<i32>} : memref<8x256xf32, #tpu.memory_space<vmem>>, vector<1x16xf32>,
      %swap3A_136 = vector.shape_cast %swap3A_135 : vector<1x16xf32> to vector<16xf32>
      %swap3A_137 = vector.shape_cast %bitcast_convert_type3A_131 : vector<16xf32> to vector<1x16xf32>
      tpu.vector_store %arg6[%swap3A_133, %swap3A_134], %swap3A_137 {strides = array<i32>} : memref<8x256xf32, #tpu.memory_space<vmem>>, vector<1x16xf32>,
      %and3A_138 = arith.andi %bitcast_convert_type3A_129, %broadcast_in_dim3A_16 : vector<16xi32>
      %sub3A_139 = arith.subi %broadcast_in_dim3A_16, %and3A_138 : vector<16xi32>
      %swap3A_140 = arith.constant 5 : i32
      %swap3A_141 = arith.index_cast %swap3A_140 : i32 to index
      %swap3A_142 = arith.index_cast %multiple_of3A : i32 to index
      %swap3A_143 = tpu.vector_load %arg7[%swap3A_141, %swap3A_142] {strides = array<i32>} : memref<8x256xi32, #tpu.memory_space<vmem>>, vector<1x16xi32>,
      %swap3A_144 = vector.shape_cast %swap3A_143 : vector<1x16xi32> to vector<16xi32>
      %swap3A_145 = vector.shape_cast %sub3A_139 : vector<16xi32> to vector<1x16xi32>
      tpu.vector_store %arg7[%swap3A_141, %swap3A_142], %swap3A_145 {strides = array<i32>} : memref<8x256xi32, #tpu.memory_space<vmem>>, vector<1x16xi32>,
      %bitcast_convert_type3A_146 = tpu.bitcast %scan3A_46#6 : vector<16xf32> -> vector<16xi32>
      %and3A_147 = arith.andi %bitcast_convert_type3A_146, %broadcast_in_dim3A_18 : vector<16xi32>
      %bitcast_convert_type3A_148 = tpu.bitcast %and3A_147 : vector<16xi32> -> vector<16xf32>
      %swap3A_149 = arith.constant 6 : i32
      %swap3A_150 = arith.index_cast %swap3A_149 : i32 to index
      %swap3A_151 = arith.index_cast %multiple_of3A : i32 to index
      %swap3A_152 = tpu.vector_load %arg6[%swap3A_150, %swap3A_151] {strides = array<i32>} : memref<8x256xf32, #tpu.memory_space<vmem>>, vector<1x16xf32>,
      %swap3A_153 = vector.shape_cast %swap3A_152 : vector<1x16xf32> to vector<16xf32>
      %swap3A_154 = vector.shape_cast %bitcast_convert_type3A_148 : vector<16xf32> to vector<1x16xf32>
      tpu.vector_store %arg6[%swap3A_150, %swap3A_151], %swap3A_154 {strides = array<i32>} : memref<8x256xf32, #tpu.memory_space<vmem>>, vector<1x16xf32>,
      %and3A_155 = arith.andi %bitcast_convert_type3A_146, %broadcast_in_dim3A_16 : vector<16xi32>
      %sub3A_156 = arith.subi %broadcast_in_dim3A_16, %and3A_155 : vector<16xi32>
      %swap3A_157 = arith.constant 6 : i32
      %swap3A_158 = arith.index_cast %swap3A_157 : i32 to index
      %swap3A_159 = arith.index_cast %multiple_of3A : i32 to index
      %swap3A_160 = tpu.vector_load %arg7[%swap3A_158, %swap3A_159] {strides = array<i32>} : memref<8x256xi32, #tpu.memory_space<vmem>>, vector<1x16xi32>,
      %swap3A_161 = vector.shape_cast %swap3A_160 : vector<1x16xi32> to vector<16xi32>
      %swap3A_162 = vector.shape_cast %sub3A_156 : vector<16xi32> to vector<1x16xi32>
      tpu.vector_store %arg7[%swap3A_158, %swap3A_159], %swap3A_162 {strides = array<i32>} : memref<8x256xi32, #tpu.memory_space<vmem>>, vector<1x16xi32>,
      %bitcast_convert_type3A_163 = tpu.bitcast %scan3A_46#7 : vector<16xf32> -> vector<16xi32>
      %and3A_164 = arith.andi %bitcast_convert_type3A_163, %broadcast_in_dim3A_18 : vector<16xi32>
      %bitcast_convert_type3A_165 = tpu.bitcast %and3A_164 : vector<16xi32> -> vector<16xf32>
      %swap3A_166 = arith.constant 7 : i32
      %swap3A_167 = arith.index_cast %swap3A_166 : i32 to index
      %swap3A_168 = arith.index_cast %multiple_of3A : i32 to index
      %swap3A_169 = tpu.vector_load %arg6[%swap3A_167, %swap3A_168] {strides = array<i32>} : memref<8x256xf32, #tpu.memory_space<vmem>>, vector<1x16xf32>,
      %swap3A_170 = vector.shape_cast %swap3A_169 : vector<1x16xf32> to vector<16xf32>
      %swap3A_171 = vector.shape_cast %bitcast_convert_type3A_165 : vector<16xf32> to vector<1x16xf32>
      tpu.vector_store %arg6[%swap3A_167, %swap3A_168], %swap3A_171 {strides = array<i32>} : memref<8x256xf32, #tpu.memory_space<vmem>>, vector<1x16xf32>,
      %and3A_172 = arith.andi %bitcast_convert_type3A_163, %broadcast_in_dim3A_16 : vector<16xi32>
      %sub3A_173 = arith.subi %broadcast_in_dim3A_16, %and3A_172 : vector<16xi32>
      %swap3A_174 = arith.constant 7 : i32
      %swap3A_175 = arith.index_cast %swap3A_174 : i32 to index
      %swap3A_176 = arith.index_cast %multiple_of3A : i32 to index
      %swap3A_177 = tpu.vector_load %arg7[%swap3A_175, %swap3A_176] {strides = array<i32>} : memref<8x256xi32, #tpu.memory_space<vmem>>, vector<1x16xi32>,
      %swap3A_178 = vector.shape_cast %swap3A_177 : vector<1x16xi32> to vector<16xi32>
      %swap3A_179 = vector.shape_cast %sub3A_173 : vector<16xi32> to vector<1x16xi32>
      tpu.vector_store %arg7[%swap3A_175, %swap3A_176], %swap3A_179 {strides = array<i32>} : memref<8x256xi32, #tpu.memory_space<vmem>>, vector<1x16xi32>,
    }
    %scan3A_23 = arith.constant 8 : i32
    %dma_wait3A = arith.constant 0 : i32
    %dma_wait3A_24 = arith.constant 128 : i32
    %dma_wait3A_25 = tpu.memref_slice %arg5[%dma_wait3A, %dma_wait3A_24] : memref<64x256xf32, #tpu.memory_space<vmem>> -> memref<64x128xf32, #tpu.memory_space<vmem>>
    %dma_wait3A_26 = arith.constant 0 : i32
    %dma_wait3A_27 = tpu.memref_slice %arg2[%dma_wait3A_26, %add3A_4] : memref<64x8192xf32, #tpu.memory_space<hbm>> -> memref<64x128xf32, #tpu.memory_space<hbm>>
    %dma_wait3A_28 = arith.constant 0 : i32
    %dma_wait3A_29 = arith.constant 128 : i32
    %dma_wait3A_30 = tpu.memref_slice %arg5[%dma_wait3A_28, %dma_wait3A_29] : memref<64x256xf32, #tpu.memory_space<vmem>> -> memref<64x128xf32, #tpu.memory_space<vmem>>
    %dma_wait3A_31 = arith.constant 0 : i32
    %dma_wait3A_32 = tpu.memref_slice %arg2[%dma_wait3A_31, %add3A_4] : memref<64x8192xf32, #tpu.memory_space<hbm>> -> memref<64x128xf32, #tpu.memory_space<hbm>>
    tpu.wait_dma2 semaphore(%arg8 : memref<!tpu.dma_semaphore, #tpu.memory_space<semaphore_mem>>) src(%dma_wait3A_32 : memref<64x128xf32, #tpu.memory_space<hbm>>) dst(%dma_wait3A_30 : memref<64x128xf32, #tpu.memory_space<vmem>>)
    %scan3A_33 = arith.constant 0 : i32
    %scan3A_34 = arith.constant 8 : i32
    %scan3A_35 = arith.constant 8 : i32
    %scan3A_36 = arith.addi %scan3A_34, %scan3A_35 : i32
    %scan3A_37 = arith.constant 1 : i32
    scf.for %scan3A_39 = %scan3A_34 to %scan3A_36 step %scan3A_37  : i32 {
      %mul3A_40 = arith.constant 16 : i32
      %mul3A_41 = arith.muli %scan3A_39, %mul3A_40 : i32
      %multiple_of3A = tpu.assume_multiple %mul3A_41, 16 : i32
      %scan3A_42 = arith.constant 0 : i32
      %scan3A_43 = arith.constant 8 : i32
      %scan3A_44 = arith.addi %scan3A_42, %scan3A_43 : i32
      %scan3A_45 = arith.constant 1 : i32
      %scan3A_46:8 = scf.for %scan3A_180 = %scan3A_42 to %scan3A_44 step %scan3A_45 iter_args(%scan3A_181 = %broadcast_in_dim3A_14, %scan3A_182 = %broadcast_in_dim3A_14, %scan3A_183 = %broadcast_in_dim3A_14, %scan3A_184 = %broadcast_in_dim3A_14, %scan3A_185 = %broadcast_in_dim3A_14, %scan3A_186 = %broadcast_in_dim3A_14, %scan3A_187 = %broadcast_in_dim3A_14, %scan3A_188 = %broadcast_in_dim3A_14) -> (vector<16xf32>, vector<16xf32>, vector<16xf32>, vector<16xf32>, vector<16xf32>, vector<16xf32>, vector<16xf32>, vector<16xf32>)  : i32 {
        %mul3A_189 = arith.constant 8 : i32
        %mul3A_190 = arith.muli %scan3A_180, %mul3A_189 : i32
        %add3A_191 = arith.constant 0 : i32
        %add3A_192 = arith.addi %mul3A_190, %add3A_191 : i32
        %get3A = arith.index_cast %add3A_192 : i32 to index
        %get3A_193 = arith.index_cast %multiple_of3A : i32 to index
        %get3A_194 = tpu.vector_load %arg5[%get3A, %get3A_193] {strides = array<i32>} : memref<64x256xf32, #tpu.memory_space<vmem>>, vector<1x16xf32>,
        %get3A_195 = vector.shape_cast %get3A_194 : vector<1x16xf32> to vector<16xf32>
        %min3A = arith.minimumf %scan3A_187, %get3A_195 : vector<16xf32>
        %max3A = arith.maximumf %scan3A_188, %min3A : vector<16xf32>
        %min3A_196 = arith.minimumf %scan3A_186, %get3A_195 : vector<16xf32>
        %max3A_197 = arith.maximumf %scan3A_187, %min3A_196 : vector<16xf32>
        %min3A_198 = arith.minimumf %scan3A_185, %get3A_195 : vector<16xf32>
        %max3A_199 = arith.maximumf %scan3A_186, %min3A_198 : vector<16xf32>
        %min3A_200 = arith.minimumf %scan3A_184, %get3A_195 : vector<16xf32>
        %max3A_201 = arith.maximumf %scan3A_185, %min3A_200 : vector<16xf32>
        %min3A_202 = arith.minimumf %scan3A_183, %get3A_195 : vector<16xf32>
        %max3A_203 = arith.maximumf %scan3A_184, %min3A_202 : vector<16xf32>
        %min3A_204 = arith.minimumf %scan3A_182, %get3A_195 : vector<16xf32>
        %max3A_205 = arith.maximumf %scan3A_183, %min3A_204 : vector<16xf32>
        %min3A_206 = arith.minimumf %scan3A_181, %get3A_195 : vector<16xf32>
        %max3A_207 = arith.maximumf %scan3A_182, %min3A_206 : vector<16xf32>
        %max3A_208 = arith.maximumf %scan3A_181, %get3A_195 : vector<16xf32>
        %mul3A_209 = arith.constant 8 : i32
        %mul3A_210 = arith.muli %scan3A_180, %mul3A_209 : i32
        %add3A_211 = arith.constant 1 : i32
        %add3A_212 = arith.addi %mul3A_210, %add3A_211 : i32
        %get3A_213 = arith.index_cast %add3A_212 : i32 to index
        %get3A_214 = arith.index_cast %multiple_of3A : i32 to index
        %get3A_215 = tpu.vector_load %arg5[%get3A_213, %get3A_214] {strides = array<i32>} : memref<64x256xf32, #tpu.memory_space<vmem>>, vector<1x16xf32>,
        %get3A_216 = vector.shape_cast %get3A_215 : vector<1x16xf32> to vector<16xf32>
        %min3A_217 = arith.minimumf %max3A_197, %get3A_216 : vector<16xf32>
        %max3A_218 = arith.maximumf %max3A, %min3A_217 : vector<16xf32>
        %min3A_219 = arith.minimumf %max3A_199, %get3A_216 : vector<16xf32>
        %max3A_220 = arith.maximumf %max3A_197, %min3A_219 : vector<16xf32>
        %min3A_221 = arith.minimumf %max3A_201, %get3A_216 : vector<16xf32>
        %max3A_222 = arith.maximumf %max3A_199, %min3A_221 : vector<16xf32>
        %min3A_223 = arith.minimumf %max3A_203, %get3A_216 : vector<16xf32>
        %max3A_224 = arith.maximumf %max3A_201, %min3A_223 : vector<16xf32>
        %min3A_225 = arith.minimumf %max3A_205, %get3A_216 : vector<16xf32>
        %max3A_226 = arith.maximumf %max3A_203, %min3A_225 : vector<16xf32>
        %min3A_227 = arith.minimumf %max3A_207, %get3A_216 : vector<16xf32>
        %max3A_228 = arith.maximumf %max3A_205, %min3A_227 : vector<16xf32>
        %min3A_229 = arith.minimumf %max3A_208, %get3A_216 : vector<16xf32>
        %max3A_230 = arith.maximumf %max3A_207, %min3A_229 : vector<16xf32>
        %max3A_231 = arith.maximumf %max3A_208, %get3A_216 : vector<16xf32>
        %mul3A_232 = arith.constant 8 : i32
        %mul3A_233 = arith.muli %scan3A_180, %mul3A_232 : i32
        %add3A_234 = arith.constant 2 : i32
        %add3A_235 = arith.addi %mul3A_233, %add3A_234 : i32
        %get3A_236 = arith.index_cast %add3A_235 : i32 to index
        %get3A_237 = arith.index_cast %multiple_of3A : i32 to index
        %get3A_238 = tpu.vector_load %arg5[%get3A_236, %get3A_237] {strides = array<i32>} : memref<64x256xf32, #tpu.memory_space<vmem>>, vector<1x16xf32>,
        %get3A_239 = vector.shape_cast %get3A_238 : vector<1x16xf32> to vector<16xf32>
        %min3A_240 = arith.minimumf %max3A_220, %get3A_239 : vector<16xf32>
        %max3A_241 = arith.maximumf %max3A_218, %min3A_240 : vector<16xf32>
        %min3A_242 = arith.minimumf %max3A_222, %get3A_239 : vector<16xf32>
        %max3A_243 = arith.maximumf %max3A_220, %min3A_242 : vector<16xf32>
        %min3A_244 = arith.minimumf %max3A_224, %get3A_239 : vector<16xf32>
        %max3A_245 = arith.maximumf %max3A_222, %min3A_244 : vector<16xf32>
        %min3A_246 = arith.minimumf %max3A_226, %get3A_239 : vector<16xf32>
        %max3A_247 = arith.maximumf %max3A_224, %min3A_246 : vector<16xf32>
        %min3A_248 = arith.minimumf %max3A_228, %get3A_239 : vector<16xf32>
        %max3A_249 = arith.maximumf %max3A_226, %min3A_248 : vector<16xf32>
        %min3A_250 = arith.minimumf %max3A_230, %get3A_239 : vector<16xf32>
        %max3A_251 = arith.maximumf %max3A_228, %min3A_250 : vector<16xf32>
        %min3A_252 = arith.minimumf %max3A_231, %get3A_239 : vector<16xf32>
        %max3A_253 = arith.maximumf %max3A_230, %min3A_252 : vector<16xf32>
        %max3A_254 = arith.maximumf %max3A_231, %get3A_239 : vector<16xf32>
        %mul3A_255 = arith.constant 8 : i32
        %mul3A_256 = arith.muli %scan3A_180, %mul3A_255 : i32
        %add3A_257 = arith.constant 3 : i32
        %add3A_258 = arith.addi %mul3A_256, %add3A_257 : i32
        %get3A_259 = arith.index_cast %add3A_258 : i32 to index
        %get3A_260 = arith.index_cast %multiple_of3A : i32 to index
        %get3A_261 = tpu.vector_load %arg5[%get3A_259, %get3A_260] {strides = array<i32>} : memref<64x256xf32, #tpu.memory_space<vmem>>, vector<1x16xf32>,
        %get3A_262 = vector.shape_cast %get3A_261 : vector<1x16xf32> to vector<16xf32>
        %min3A_263 = arith.minimumf %max3A_243, %get3A_262 : vector<16xf32>
        %max3A_264 = arith.maximumf %max3A_241, %min3A_263 : vector<16xf32>
        %min3A_265 = arith.minimumf %max3A_245, %get3A_262 : vector<16xf32>
        %max3A_266 = arith.maximumf %max3A_243, %min3A_265 : vector<16xf32>
        %min3A_267 = arith.minimumf %max3A_247, %get3A_262 : vector<16xf32>
        %max3A_268 = arith.maximumf %max3A_245, %min3A_267 : vector<16xf32>
        %min3A_269 = arith.minimumf %max3A_249, %get3A_262 : vector<16xf32>
        %max3A_270 = arith.maximumf %max3A_247, %min3A_269 : vector<16xf32>
        %min3A_271 = arith.minimumf %max3A_251, %get3A_262 : vector<16xf32>
        %max3A_272 = arith.maximumf %max3A_249, %min3A_271 : vector<16xf32>
        %min3A_273 = arith.minimumf %max3A_253, %get3A_262 : vector<16xf32>
        %max3A_274 = arith.maximumf %max3A_251, %min3A_273 : vector<16xf32>
        %min3A_275 = arith.minimumf %max3A_254, %get3A_262 : vector<16xf32>
        %max3A_276 = arith.maximumf %max3A_253, %min3A_275 : vector<16xf32>
        %max3A_277 = arith.maximumf %max3A_254, %get3A_262 : vector<16xf32>
        %mul3A_278 = arith.constant 8 : i32
        %mul3A_279 = arith.muli %scan3A_180, %mul3A_278 : i32
        %add3A_280 = arith.constant 4 : i32
        %add3A_281 = arith.addi %mul3A_279, %add3A_280 : i32
        %get3A_282 = arith.index_cast %add3A_281 : i32 to index
        %get3A_283 = arith.index_cast %multiple_of3A : i32 to index
        %get3A_284 = tpu.vector_load %arg5[%get3A_282, %get3A_283] {strides = array<i32>} : memref<64x256xf32, #tpu.memory_space<vmem>>, vector<1x16xf32>,
        %get3A_285 = vector.shape_cast %get3A_284 : vector<1x16xf32> to vector<16xf32>
        %min3A_286 = arith.minimumf %max3A_266, %get3A_285 : vector<16xf32>
        %max3A_287 = arith.maximumf %max3A_264, %min3A_286 : vector<16xf32>
        %min3A_288 = arith.minimumf %max3A_268, %get3A_285 : vector<16xf32>
        %max3A_289 = arith.maximumf %max3A_266, %min3A_288 : vector<16xf32>
        %min3A_290 = arith.minimumf %max3A_270, %get3A_285 : vector<16xf32>
        %max3A_291 = arith.maximumf %max3A_268, %min3A_290 : vector<16xf32>
        %min3A_292 = arith.minimumf %max3A_272, %get3A_285 : vector<16xf32>
        %max3A_293 = arith.maximumf %max3A_270, %min3A_292 : vector<16xf32>
        %min3A_294 = arith.minimumf %max3A_274, %get3A_285 : vector<16xf32>
        %max3A_295 = arith.maximumf %max3A_272, %min3A_294 : vector<16xf32>
        %min3A_296 = arith.minimumf %max3A_276, %get3A_285 : vector<16xf32>
        %max3A_297 = arith.maximumf %max3A_274, %min3A_296 : vector<16xf32>
        %min3A_298 = arith.minimumf %max3A_277, %get3A_285 : vector<16xf32>
        %max3A_299 = arith.maximumf %max3A_276, %min3A_298 : vector<16xf32>
        %max3A_300 = arith.maximumf %max3A_277, %get3A_285 : vector<16xf32>
        %mul3A_301 = arith.constant 8 : i32
        %mul3A_302 = arith.muli %scan3A_180, %mul3A_301 : i32
        %add3A_303 = arith.constant 5 : i32
        %add3A_304 = arith.addi %mul3A_302, %add3A_303 : i32
        %get3A_305 = arith.index_cast %add3A_304 : i32 to index
        %get3A_306 = arith.index_cast %multiple_of3A : i32 to index
        %get3A_307 = tpu.vector_load %arg5[%get3A_305, %get3A_306] {strides = array<i32>} : memref<64x256xf32, #tpu.memory_space<vmem>>, vector<1x16xf32>,
        %get3A_308 = vector.shape_cast %get3A_307 : vector<1x16xf32> to vector<16xf32>
        %min3A_309 = arith.minimumf %max3A_289, %get3A_308 : vector<16xf32>
        %max3A_310 = arith.maximumf %max3A_287, %min3A_309 : vector<16xf32>
        %min3A_311 = arith.minimumf %max3A_291, %get3A_308 : vector<16xf32>
        %max3A_312 = arith.maximumf %max3A_289, %min3A_311 : vector<16xf32>
        %min3A_313 = arith.minimumf %max3A_293, %get3A_308 : vector<16xf32>
        %max3A_314 = arith.maximumf %max3A_291, %min3A_313 : vector<16xf32>
        %min3A_315 = arith.minimumf %max3A_295, %get3A_308 : vector<16xf32>
        %max3A_316 = arith.maximumf %max3A_293, %min3A_315 : vector<16xf32>
        %min3A_317 = arith.minimumf %max3A_297, %get3A_308 : vector<16xf32>
        %max3A_318 = arith.maximumf %max3A_295, %min3A_317 : vector<16xf32>
        %min3A_319 = arith.minimumf %max3A_299, %get3A_308 : vector<16xf32>
        %max3A_320 = arith.maximumf %max3A_297, %min3A_319 : vector<16xf32>
        %min3A_321 = arith.minimumf %max3A_300, %get3A_308 : vector<16xf32>
        %max3A_322 = arith.maximumf %max3A_299, %min3A_321 : vector<16xf32>
        %max3A_323 = arith.maximumf %max3A_300, %get3A_308 : vector<16xf32>
        %mul3A_324 = arith.constant 8 : i32
        %mul3A_325 = arith.muli %scan3A_180, %mul3A_324 : i32
        %add3A_326 = arith.constant 6 : i32
        %add3A_327 = arith.addi %mul3A_325, %add3A_326 : i32
        %get3A_328 = arith.index_cast %add3A_327 : i32 to index
        %get3A_329 = arith.index_cast %multiple_of3A : i32 to index
        %get3A_330 = tpu.vector_load %arg5[%get3A_328, %get3A_329] {strides = array<i32>} : memref<64x256xf32, #tpu.memory_space<vmem>>, vector<1x16xf32>,
        %get3A_331 = vector.shape_cast %get3A_330 : vector<1x16xf32> to vector<16xf32>
        %min3A_332 = arith.minimumf %max3A_312, %get3A_331 : vector<16xf32>
        %max3A_333 = arith.maximumf %max3A_310, %min3A_332 : vector<16xf32>
        %min3A_334 = arith.minimumf %max3A_314, %get3A_331 : vector<16xf32>
        %max3A_335 = arith.maximumf %max3A_312, %min3A_334 : vector<16xf32>
        %min3A_336 = arith.minimumf %max3A_316, %get3A_331 : vector<16xf32>
        %max3A_337 = arith.maximumf %max3A_314, %min3A_336 : vector<16xf32>
        %min3A_338 = arith.minimumf %max3A_318, %get3A_331 : vector<16xf32>
        %max3A_339 = arith.maximumf %max3A_316, %min3A_338 : vector<16xf32>
        %min3A_340 = arith.minimumf %max3A_320, %get3A_331 : vector<16xf32>
        %max3A_341 = arith.maximumf %max3A_318, %min3A_340 : vector<16xf32>
        %min3A_342 = arith.minimumf %max3A_322, %get3A_331 : vector<16xf32>
        %max3A_343 = arith.maximumf %max3A_320, %min3A_342 : vector<16xf32>
        %min3A_344 = arith.minimumf %max3A_323, %get3A_331 : vector<16xf32>
        %max3A_345 = arith.maximumf %max3A_322, %min3A_344 : vector<16xf32>
        %max3A_346 = arith.maximumf %max3A_323, %get3A_331 : vector<16xf32>
        %mul3A_347 = arith.constant 8 : i32
        %mul3A_348 = arith.muli %scan3A_180, %mul3A_347 : i32
        %add3A_349 = arith.constant 7 : i32
        %add3A_350 = arith.addi %mul3A_348, %add3A_349 : i32
        %get3A_351 = arith.index_cast %add3A_350 : i32 to index
        %get3A_352 = arith.index_cast %multiple_of3A : i32 to index
        %get3A_353 = tpu.vector_load %arg5[%get3A_351, %get3A_352] {strides = array<i32>} : memref<64x256xf32, #tpu.memory_space<vmem>>, vector<1x16xf32>,
        %get3A_354 = vector.shape_cast %get3A_353 : vector<1x16xf32> to vector<16xf32>
        %min3A_355 = arith.minimumf %max3A_335, %get3A_354 : vector<16xf32>
        %max3A_356 = arith.maximumf %max3A_333, %min3A_355 : vector<16xf32>
        %min3A_357 = arith.minimumf %max3A_337, %get3A_354 : vector<16xf32>
        %max3A_358 = arith.maximumf %max3A_335, %min3A_357 : vector<16xf32>
        %min3A_359 = arith.minimumf %max3A_339, %get3A_354 : vector<16xf32>
        %max3A_360 = arith.maximumf %max3A_337, %min3A_359 : vector<16xf32>
        %min3A_361 = arith.minimumf %max3A_341, %get3A_354 : vector<16xf32>
        %max3A_362 = arith.maximumf %max3A_339, %min3A_361 : vector<16xf32>
        %min3A_363 = arith.minimumf %max3A_343, %get3A_354 : vector<16xf32>
        %max3A_364 = arith.maximumf %max3A_341, %min3A_363 : vector<16xf32>
        %min3A_365 = arith.minimumf %max3A_345, %get3A_354 : vector<16xf32>
        %max3A_366 = arith.maximumf %max3A_343, %min3A_365 : vector<16xf32>
        %min3A_367 = arith.minimumf %max3A_346, %get3A_354 : vector<16xf32>
        %max3A_368 = arith.maximumf %max3A_345, %min3A_367 : vector<16xf32>
        %max3A_369 = arith.maximumf %max3A_346, %get3A_354 : vector<16xf32>
        scf.yield %max3A_369, %max3A_368, %max3A_366, %max3A_364, %max3A_362, %max3A_360, %max3A_358, %max3A_356 : vector<16xf32>, vector<16xf32>, vector<16xf32>, vector<16xf32>, vector<16xf32>, vector<16xf32>, vector<16xf32>, vector<16xf32>
      }
      %scan3A_47 = arith.constant 8 : i32
      %bitcast_convert_type3A = tpu.bitcast %scan3A_46#0 : vector<16xf32> -> vector<16xi32>
      %and3A = arith.andi %bitcast_convert_type3A, %broadcast_in_dim3A_18 : vector<16xi32>
      %bitcast_convert_type3A_48 = tpu.bitcast %and3A : vector<16xi32> -> vector<16xf32>
      %swap3A = arith.constant 0 : i32
      %swap3A_49 = arith.index_cast %swap3A : i32 to index
      %swap3A_50 = arith.index_cast %multiple_of3A : i32 to index
      %swap3A_51 = tpu.vector_load %arg6[%swap3A_49, %swap3A_50] {strides = array<i32>} : memref<8x256xf32, #tpu.memory_space<vmem>>, vector<1x16xf32>,
      %swap3A_52 = vector.shape_cast %swap3A_51 : vector<1x16xf32> to vector<16xf32>
      %swap3A_53 = vector.shape_cast %bitcast_convert_type3A_48 : vector<16xf32> to vector<1x16xf32>
      tpu.vector_store %arg6[%swap3A_49, %swap3A_50], %swap3A_53 {strides = array<i32>} : memref<8x256xf32, #tpu.memory_space<vmem>>, vector<1x16xf32>,
      %and3A_54 = arith.andi %bitcast_convert_type3A, %broadcast_in_dim3A_16 : vector<16xi32>
      %sub3A = arith.subi %broadcast_in_dim3A_16, %and3A_54 : vector<16xi32>
      %swap3A_55 = arith.constant 0 : i32
      %swap3A_56 = arith.index_cast %swap3A_55 : i32 to index
      %swap3A_57 = arith.index_cast %multiple_of3A : i32 to index
      %swap3A_58 = tpu.vector_load %arg7[%swap3A_56, %swap3A_57] {strides = array<i32>} : memref<8x256xi32, #tpu.memory_space<vmem>>, vector<1x16xi32>,
      %swap3A_59 = vector.shape_cast %swap3A_58 : vector<1x16xi32> to vector<16xi32>
      %swap3A_60 = vector.shape_cast %sub3A : vector<16xi32> to vector<1x16xi32>
      tpu.vector_store %arg7[%swap3A_56, %swap3A_57], %swap3A_60 {strides = array<i32>} : memref<8x256xi32, #tpu.memory_space<vmem>>, vector<1x16xi32>,
      %bitcast_convert_type3A_61 = tpu.bitcast %scan3A_46#1 : vector<16xf32> -> vector<16xi32>
      %and3A_62 = arith.andi %bitcast_convert_type3A_61, %broadcast_in_dim3A_18 : vector<16xi32>
      %bitcast_convert_type3A_63 = tpu.bitcast %and3A_62 : vector<16xi32> -> vector<16xf32>
      %swap3A_64 = arith.constant 1 : i32
      %swap3A_65 = arith.index_cast %swap3A_64 : i32 to index
      %swap3A_66 = arith.index_cast %multiple_of3A : i32 to index
      %swap3A_67 = tpu.vector_load %arg6[%swap3A_65, %swap3A_66] {strides = array<i32>} : memref<8x256xf32, #tpu.memory_space<vmem>>, vector<1x16xf32>,
      %swap3A_68 = vector.shape_cast %swap3A_67 : vector<1x16xf32> to vector<16xf32>
      %swap3A_69 = vector.shape_cast %bitcast_convert_type3A_63 : vector<16xf32> to vector<1x16xf32>
      tpu.vector_store %arg6[%swap3A_65, %swap3A_66], %swap3A_69 {strides = array<i32>} : memref<8x256xf32, #tpu.memory_space<vmem>>, vector<1x16xf32>,
      %and3A_70 = arith.andi %bitcast_convert_type3A_61, %broadcast_in_dim3A_16 : vector<16xi32>
      %sub3A_71 = arith.subi %broadcast_in_dim3A_16, %and3A_70 : vector<16xi32>
      %swap3A_72 = arith.constant 1 : i32
      %swap3A_73 = arith.index_cast %swap3A_72 : i32 to index
      %swap3A_74 = arith.index_cast %multiple_of3A : i32 to index
      %swap3A_75 = tpu.vector_load %arg7[%swap3A_73, %swap3A_74] {strides = array<i32>} : memref<8x256xi32, #tpu.memory_space<vmem>>, vector<1x16xi32>,
      %swap3A_76 = vector.shape_cast %swap3A_75 : vector<1x16xi32> to vector<16xi32>
      %swap3A_77 = vector.shape_cast %sub3A_71 : vector<16xi32> to vector<1x16xi32>
      tpu.vector_store %arg7[%swap3A_73, %swap3A_74], %swap3A_77 {strides = array<i32>} : memref<8x256xi32, #tpu.memory_space<vmem>>, vector<1x16xi32>,
      %bitcast_convert_type3A_78 = tpu.bitcast %scan3A_46#2 : vector<16xf32> -> vector<16xi32>
      %and3A_79 = arith.andi %bitcast_convert_type3A_78, %broadcast_in_dim3A_18 : vector<16xi32>
      %bitcast_convert_type3A_80 = tpu.bitcast %and3A_79 : vector<16xi32> -> vector<16xf32>
      %swap3A_81 = arith.constant 2 : i32
      %swap3A_82 = arith.index_cast %swap3A_81 : i32 to index
      %swap3A_83 = arith.index_cast %multiple_of3A : i32 to index
      %swap3A_84 = tpu.vector_load %arg6[%swap3A_82, %swap3A_83] {strides = array<i32>} : memref<8x256xf32, #tpu.memory_space<vmem>>, vector<1x16xf32>,
      %swap3A_85 = vector.shape_cast %swap3A_84 : vector<1x16xf32> to vector<16xf32>
      %swap3A_86 = vector.shape_cast %bitcast_convert_type3A_80 : vector<16xf32> to vector<1x16xf32>
      tpu.vector_store %arg6[%swap3A_82, %swap3A_83], %swap3A_86 {strides = array<i32>} : memref<8x256xf32, #tpu.memory_space<vmem>>, vector<1x16xf32>,
      %and3A_87 = arith.andi %bitcast_convert_type3A_78, %broadcast_in_dim3A_16 : vector<16xi32>
      %sub3A_88 = arith.subi %broadcast_in_dim3A_16, %and3A_87 : vector<16xi32>
      %swap3A_89 = arith.constant 2 : i32
      %swap3A_90 = arith.index_cast %swap3A_89 : i32 to index
      %swap3A_91 = arith.index_cast %multiple_of3A : i32 to index
      %swap3A_92 = tpu.vector_load %arg7[%swap3A_90, %swap3A_91] {strides = array<i32>} : memref<8x256xi32, #tpu.memory_space<vmem>>, vector<1x16xi32>,
      %swap3A_93 = vector.shape_cast %swap3A_92 : vector<1x16xi32> to vector<16xi32>
      %swap3A_94 = vector.shape_cast %sub3A_88 : vector<16xi32> to vector<1x16xi32>
      tpu.vector_store %arg7[%swap3A_90, %swap3A_91], %swap3A_94 {strides = array<i32>} : memref<8x256xi32, #tpu.memory_space<vmem>>, vector<1x16xi32>,
      %bitcast_convert_type3A_95 = tpu.bitcast %scan3A_46#3 : vector<16xf32> -> vector<16xi32>
      %and3A_96 = arith.andi %bitcast_convert_type3A_95, %broadcast_in_dim3A_18 : vector<16xi32>
      %bitcast_convert_type3A_97 = tpu.bitcast %and3A_96 : vector<16xi32> -> vector<16xf32>
      %swap3A_98 = arith.constant 3 : i32
      %swap3A_99 = arith.index_cast %swap3A_98 : i32 to index
      %swap3A_100 = arith.index_cast %multiple_of3A : i32 to index
      %swap3A_101 = tpu.vector_load %arg6[%swap3A_99, %swap3A_100] {strides = array<i32>} : memref<8x256xf32, #tpu.memory_space<vmem>>, vector<1x16xf32>,
      %swap3A_102 = vector.shape_cast %swap3A_101 : vector<1x16xf32> to vector<16xf32>
      %swap3A_103 = vector.shape_cast %bitcast_convert_type3A_97 : vector<16xf32> to vector<1x16xf32>
      tpu.vector_store %arg6[%swap3A_99, %swap3A_100], %swap3A_103 {strides = array<i32>} : memref<8x256xf32, #tpu.memory_space<vmem>>, vector<1x16xf32>,
      %and3A_104 = arith.andi %bitcast_convert_type3A_95, %broadcast_in_dim3A_16 : vector<16xi32>
      %sub3A_105 = arith.subi %broadcast_in_dim3A_16, %and3A_104 : vector<16xi32>
      %swap3A_106 = arith.constant 3 : i32
      %swap3A_107 = arith.index_cast %swap3A_106 : i32 to index
      %swap3A_108 = arith.index_cast %multiple_of3A : i32 to index
      %swap3A_109 = tpu.vector_load %arg7[%swap3A_107, %swap3A_108] {strides = array<i32>} : memref<8x256xi32, #tpu.memory_space<vmem>>, vector<1x16xi32>,
      %swap3A_110 = vector.shape_cast %swap3A_109 : vector<1x16xi32> to vector<16xi32>
      %swap3A_111 = vector.shape_cast %sub3A_105 : vector<16xi32> to vector<1x16xi32>
      tpu.vector_store %arg7[%swap3A_107, %swap3A_108], %swap3A_111 {strides = array<i32>} : memref<8x256xi32, #tpu.memory_space<vmem>>, vector<1x16xi32>,
      %bitcast_convert_type3A_112 = tpu.bitcast %scan3A_46#4 : vector<16xf32> -> vector<16xi32>
      %and3A_113 = arith.andi %bitcast_convert_type3A_112, %broadcast_in_dim3A_18 : vector<16xi32>
      %bitcast_convert_type3A_114 = tpu.bitcast %and3A_113 : vector<16xi32> -> vector<16xf32>
      %swap3A_115 = arith.constant 4 : i32
      %swap3A_116 = arith.index_cast %swap3A_115 : i32 to index
      %swap3A_117 = arith.index_cast %multiple_of3A : i32 to index
      %swap3A_118 = tpu.vector_load %arg6[%swap3A_116, %swap3A_117] {strides = array<i32>} : memref<8x256xf32, #tpu.memory_space<vmem>>, vector<1x16xf32>,
      %swap3A_119 = vector.shape_cast %swap3A_118 : vector<1x16xf32> to vector<16xf32>
      %swap3A_120 = vector.shape_cast %bitcast_convert_type3A_114 : vector<16xf32> to vector<1x16xf32>
      tpu.vector_store %arg6[%swap3A_116, %swap3A_117], %swap3A_120 {strides = array<i32>} : memref<8x256xf32, #tpu.memory_space<vmem>>, vector<1x16xf32>,
      %and3A_121 = arith.andi %bitcast_convert_type3A_112, %broadcast_in_dim3A_16 : vector<16xi32>
      %sub3A_122 = arith.subi %broadcast_in_dim3A_16, %and3A_121 : vector<16xi32>
      %swap3A_123 = arith.constant 4 : i32
      %swap3A_124 = arith.index_cast %swap3A_123 : i32 to index
      %swap3A_125 = arith.index_cast %multiple_of3A : i32 to index
      %swap3A_126 = tpu.vector_load %arg7[%swap3A_124, %swap3A_125] {strides = array<i32>} : memref<8x256xi32, #tpu.memory_space<vmem>>, vector<1x16xi32>,
      %swap3A_127 = vector.shape_cast %swap3A_126 : vector<1x16xi32> to vector<16xi32>
      %swap3A_128 = vector.shape_cast %sub3A_122 : vector<16xi32> to vector<1x16xi32>
      tpu.vector_store %arg7[%swap3A_124, %swap3A_125], %swap3A_128 {strides = array<i32>} : memref<8x256xi32, #tpu.memory_space<vmem>>, vector<1x16xi32>,
      %bitcast_convert_type3A_129 = tpu.bitcast %scan3A_46#5 : vector<16xf32> -> vector<16xi32>
      %and3A_130 = arith.andi %bitcast_convert_type3A_129, %broadcast_in_dim3A_18 : vector<16xi32>
      %bitcast_convert_type3A_131 = tpu.bitcast %and3A_130 : vector<16xi32> -> vector<16xf32>
      %swap3A_132 = arith.constant 5 : i32
      %swap3A_133 = arith.index_cast %swap3A_132 : i32 to index
      %swap3A_134 = arith.index_cast %multiple_of3A : i32 to index
      %swap3A_135 = tpu.vector_load %arg6[%swap3A_133, %swap3A_134] {strides = array<i32>} : memref<8x256xf32, #tpu.memory_space<vmem>>, vector<1x16xf32>,
      %swap3A_136 = vector.shape_cast %swap3A_135 : vector<1x16xf32> to vector<16xf32>
      %swap3A_137 = vector.shape_cast %bitcast_convert_type3A_131 : vector<16xf32> to vector<1x16xf32>
      tpu.vector_store %arg6[%swap3A_133, %swap3A_134], %swap3A_137 {strides = array<i32>} : memref<8x256xf32, #tpu.memory_space<vmem>>, vector<1x16xf32>,
      %and3A_138 = arith.andi %bitcast_convert_type3A_129, %broadcast_in_dim3A_16 : vector<16xi32>
      %sub3A_139 = arith.subi %broadcast_in_dim3A_16, %and3A_138 : vector<16xi32>
      %swap3A_140 = arith.constant 5 : i32
      %swap3A_141 = arith.index_cast %swap3A_140 : i32 to index
      %swap3A_142 = arith.index_cast %multiple_of3A : i32 to index
      %swap3A_143 = tpu.vector_load %arg7[%swap3A_141, %swap3A_142] {strides = array<i32>} : memref<8x256xi32, #tpu.memory_space<vmem>>, vector<1x16xi32>,
      %swap3A_144 = vector.shape_cast %swap3A_143 : vector<1x16xi32> to vector<16xi32>
      %swap3A_145 = vector.shape_cast %sub3A_139 : vector<16xi32> to vector<1x16xi32>
      tpu.vector_store %arg7[%swap3A_141, %swap3A_142], %swap3A_145 {strides = array<i32>} : memref<8x256xi32, #tpu.memory_space<vmem>>, vector<1x16xi32>,
      %bitcast_convert_type3A_146 = tpu.bitcast %scan3A_46#6 : vector<16xf32> -> vector<16xi32>
      %and3A_147 = arith.andi %bitcast_convert_type3A_146, %broadcast_in_dim3A_18 : vector<16xi32>
      %bitcast_convert_type3A_148 = tpu.bitcast %and3A_147 : vector<16xi32> -> vector<16xf32>
      %swap3A_149 = arith.constant 6 : i32
      %swap3A_150 = arith.index_cast %swap3A_149 : i32 to index
      %swap3A_151 = arith.index_cast %multiple_of3A : i32 to index
      %swap3A_152 = tpu.vector_load %arg6[%swap3A_150, %swap3A_151] {strides = array<i32>} : memref<8x256xf32, #tpu.memory_space<vmem>>, vector<1x16xf32>,
      %swap3A_153 = vector.shape_cast %swap3A_152 : vector<1x16xf32> to vector<16xf32>
      %swap3A_154 = vector.shape_cast %bitcast_convert_type3A_148 : vector<16xf32> to vector<1x16xf32>
      tpu.vector_store %arg6[%swap3A_150, %swap3A_151], %swap3A_154 {strides = array<i32>} : memref<8x256xf32, #tpu.memory_space<vmem>>, vector<1x16xf32>,
      %and3A_155 = arith.andi %bitcast_convert_type3A_146, %broadcast_in_dim3A_16 : vector<16xi32>
      %sub3A_156 = arith.subi %broadcast_in_dim3A_16, %and3A_155 : vector<16xi32>
      %swap3A_157 = arith.constant 6 : i32
      %swap3A_158 = arith.index_cast %swap3A_157 : i32 to index
      %swap3A_159 = arith.index_cast %multiple_of3A : i32 to index
      %swap3A_160 = tpu.vector_load %arg7[%swap3A_158, %swap3A_159] {strides = array<i32>} : memref<8x256xi32, #tpu.memory_space<vmem>>, vector<1x16xi32>,
      %swap3A_161 = vector.shape_cast %swap3A_160 : vector<1x16xi32> to vector<16xi32>
      %swap3A_162 = vector.shape_cast %sub3A_156 : vector<16xi32> to vector<1x16xi32>
      tpu.vector_store %arg7[%swap3A_158, %swap3A_159], %swap3A_162 {strides = array<i32>} : memref<8x256xi32, #tpu.memory_space<vmem>>, vector<1x16xi32>,
      %bitcast_convert_type3A_163 = tpu.bitcast %scan3A_46#7 : vector<16xf32> -> vector<16xi32>
      %and3A_164 = arith.andi %bitcast_convert_type3A_163, %broadcast_in_dim3A_18 : vector<16xi32>
      %bitcast_convert_type3A_165 = tpu.bitcast %and3A_164 : vector<16xi32> -> vector<16xf32>
      %swap3A_166 = arith.constant 7 : i32
      %swap3A_167 = arith.index_cast %swap3A_166 : i32 to index
      %swap3A_168 = arith.index_cast %multiple_of3A : i32 to index
      %swap3A_169 = tpu.vector_load %arg6[%swap3A_167, %swap3A_168] {strides = array<i32>} : memref<8x256xf32, #tpu.memory_space<vmem>>, vector<1x16xf32>,
      %swap3A_170 = vector.shape_cast %swap3A_169 : vector<1x16xf32> to vector<16xf32>
      %swap3A_171 = vector.shape_cast %bitcast_convert_type3A_165 : vector<16xf32> to vector<1x16xf32>
      tpu.vector_store %arg6[%swap3A_167, %swap3A_168], %swap3A_171 {strides = array<i32>} : memref<8x256xf32, #tpu.memory_space<vmem>>, vector<1x16xf32>,
      %and3A_172 = arith.andi %bitcast_convert_type3A_163, %broadcast_in_dim3A_16 : vector<16xi32>
      %sub3A_173 = arith.subi %broadcast_in_dim3A_16, %and3A_172 : vector<16xi32>
      %swap3A_174 = arith.constant 7 : i32
      %swap3A_175 = arith.index_cast %swap3A_174 : i32 to index
      %swap3A_176 = arith.index_cast %multiple_of3A : i32 to index
      %swap3A_177 = tpu.vector_load %arg7[%swap3A_175, %swap3A_176] {strides = array<i32>} : memref<8x256xi32, #tpu.memory_space<vmem>>, vector<1x16xi32>,
      %swap3A_178 = vector.shape_cast %swap3A_177 : vector<1x16xi32> to vector<16xi32>
      %swap3A_179 = vector.shape_cast %sub3A_173 : vector<16xi32> to vector<1x16xi32>
      tpu.vector_store %arg7[%swap3A_175, %swap3A_176], %swap3A_179 {strides = array<i32>} : memref<8x256xi32, #tpu.memory_space<vmem>>, vector<1x16xi32>,
    }
    %scan3A_38 = arith.constant 8 : i32
    "tpu.region"() ({
      %run_scoped3A = tpu.sem_alloc : memref<!tpu.dma_semaphore, #tpu.memory_space<semaphore_mem>>
      %dma_start3A_39 = arith.constant 0 : i32
      %dma_start3A_40 = tpu.memref_slice %arg3[%dma_start3A_39, %mul3A_2] : memref<8x8192xf32, #tpu.memory_space<hbm>> -> memref<8x256xf32, #tpu.memory_space<hbm>>
      %dma_start3A_41 = arith.constant 0 : i32
      %dma_start3A_42 = tpu.memref_slice %arg3[%dma_start3A_41, %mul3A_2] : memref<8x8192xf32, #tpu.memory_space<hbm>> -> memref<8x256xf32, #tpu.memory_space<hbm>>
      tpu.enqueue_dma source(%arg6 : memref<8x256xf32, #tpu.memory_space<vmem>>) target(%dma_start3A_42 : memref<8x256xf32, #tpu.memory_space<hbm>>) target_semaphore(%run_scoped3A : memref<!tpu.dma_semaphore, #tpu.memory_space<semaphore_mem>>)
      %dma_wait3A_43 = arith.constant 0 : i32
      %dma_wait3A_44 = tpu.memref_slice %arg3[%dma_wait3A_43, %mul3A_2] : memref<8x8192xf32, #tpu.memory_space<hbm>> -> memref<8x256xf32, #tpu.memory_space<hbm>>
      %dma_wait3A_45 = arith.constant 0 : i32
      %dma_wait3A_46 = tpu.memref_slice %arg3[%dma_wait3A_45, %mul3A_2] : memref<8x8192xf32, #tpu.memory_space<hbm>> -> memref<8x256xf32, #tpu.memory_space<hbm>>
      tpu.wait_dma2 semaphore(%run_scoped3A : memref<!tpu.dma_semaphore, #tpu.memory_space<semaphore_mem>>) src(%arg6 : memref<8x256xf32, #tpu.memory_space<vmem>>) dst(%dma_wait3A_46 : memref<8x256xf32, #tpu.memory_space<hbm>>)
      tpu.yield
    }) : () -> ()
    "tpu.region"() ({
      %run_scoped3A = tpu.sem_alloc : memref<!tpu.dma_semaphore, #tpu.memory_space<semaphore_mem>>
      %dma_start3A_39 = arith.constant 0 : i32
      %dma_start3A_40 = tpu.memref_slice %arg4[%dma_start3A_39, %mul3A_2] : memref<8x8192xi32, #tpu.memory_space<hbm>> -> memref<8x256xi32, #tpu.memory_space<hbm>>
      %dma_start3A_41 = arith.constant 0 : i32
      %dma_start3A_42 = tpu.memref_slice %arg4[%dma_start3A_41, %mul3A_2] : memref<8x8192xi32, #tpu.memory_space<hbm>> -> memref<8x256xi32, #tpu.memory_space<hbm>>
      tpu.enqueue_dma source(%arg7 : memref<8x256xi32, #tpu.memory_space<vmem>>) target(%dma_start3A_42 : memref<8x256xi32, #tpu.memory_space<hbm>>) target_semaphore(%run_scoped3A : memref<!tpu.dma_semaphore, #tpu.memory_space<semaphore_mem>>)
      %dma_wait3A_43 = arith.constant 0 : i32
      %dma_wait3A_44 = tpu.memref_slice %arg4[%dma_wait3A_43, %mul3A_2] : memref<8x8192xi32, #tpu.memory_space<hbm>> -> memref<8x256xi32, #tpu.memory_space<hbm>>
      %dma_wait3A_45 = arith.constant 0 : i32
      %dma_wait3A_46 = tpu.memref_slice %arg4[%dma_wait3A_45, %mul3A_2] : memref<8x8192xi32, #tpu.memory_space<hbm>> -> memref<8x256xi32, #tpu.memory_space<hbm>>
      tpu.wait_dma2 semaphore(%run_scoped3A : memref<!tpu.dma_semaphore, #tpu.memory_space<semaphore_mem>>) src(%arg7 : memref<8x256xi32, #tpu.memory_space<vmem>>) dst(%dma_wait3A_46 : memref<8x256xi32, #tpu.memory_space<hbm>>)
      tpu.yield
    }) : () -> ()
    return
  }
}

module attributes {stable_mosaic.version = 14 : i64} {
  func.func @_scores_body(%arg0: i32, %arg1: memref<64x2048xf32, #tpu.memory_space<vmem>>, %arg2: memref<1024x2048xf32, #tpu.memory_space<vmem>>, %arg3: memref<64x1024xf32, #tpu.memory_space<vmem>>) attributes {dimension_semantics = [#tpu.dimension_semantics<arbitrary>], iteration_bounds = array<i64: 8>, scalar_prefetch = 0 : i64, scratch_operands = 0 : i64, tpu.core_type = #tpu.core_type<tc>, window_params = [{pipeline_mode = #tpu.pipeline_mode<synchronous>, transform_indices = @transform_0, window_bounds = array<i64: 64, 2048>}, {transform_indices = @transform_1, window_bounds = array<i64: 1024, 2048>}, {transform_indices = @transform_2, window_bounds = array<i64: 64, 1024>}]} {
    %get3A = arith.constant 0 : index
    %get3A_0 = arith.constant 0 : index
    %get3A_1 = vector.load %arg1[%get3A, %get3A_0] : memref<64x2048xf32, #tpu.memory_space<vmem>>, vector<64x2048xf32>
    %get3A_2 = arith.constant 0 : index
    %get3A_3 = arith.constant 0 : index
    %get3A_4 = vector.load %arg2[%get3A_2, %get3A_3] : memref<1024x2048xf32, #tpu.memory_space<vmem>>, vector<1024x2048xf32>
    %dot_general3A = arith.constant dense<0.000000e+00> : vector<64x1024xf32>
    %dot_general3A_5 = tpu.matmul %get3A_1, %get3A_4, %dot_general3A {dimension_numbers = #tpu.dot_dimension_numbers<[1], [1], [0], [0], [0, 0, 1, 0], [], []>, transpose_lhs_hint = false} : vector<64x2048xf32>, vector<1024x2048xf32>, vector<64x1024xf32> -> vector<64x1024xf32>
    %reduce_max3A = arith.constant dense<0xFF800000> : vector<1024xf32>
    %reduce_max3A_6 = vector.multi_reduction <maximumf>, %dot_general3A_5, %reduce_max3A [0] : vector<64x1024xf32> to vector<1024xf32>
    %broadcast_in_dim3A = vector.shape_cast %reduce_max3A_6 : vector<1024xf32> to vector<1x1024xf32>
    %sub3A = vector.broadcast %broadcast_in_dim3A : vector<1x1024xf32> to vector<64x1024xf32>
    %sub3A_7 = arith.subf %dot_general3A_5, %sub3A : vector<64x1024xf32>
    %exp3A = math.exp %sub3A_7 : vector<64x1024xf32>
    %reduce_sum3A = arith.constant dense<0.000000e+00> : vector<1024xf32>
    %reduce_sum3A_8 = vector.multi_reduction <add>, %exp3A, %reduce_sum3A [0] : vector<64x1024xf32> to vector<1024xf32>
    %broadcast_in_dim3A_9 = vector.shape_cast %reduce_sum3A_8 : vector<1024xf32> to vector<1x1024xf32>
    %div3A = vector.broadcast %broadcast_in_dim3A_9 : vector<1x1024xf32> to vector<64x1024xf32>
    %div3A_10 = arith.divf %exp3A, %div3A : vector<64x1024xf32>
    %slice3A = vector.extract_strided_slice %div3A_10 {offsets = [0, 0], sizes = [8, 1024], strides = [1, 1]} : vector<64x1024xf32> to vector<8x1024xf32>
    %reduce_max3A_11 = arith.constant dense<0xFF800000> : vector<1024xf32>
    %reduce_max3A_12 = vector.multi_reduction <maximumf>, %slice3A, %reduce_max3A_11 [0] : vector<8x1024xf32> to vector<1024xf32>
    %broadcast_in_dim3A_13 = vector.shape_cast %reduce_max3A_12 : vector<1024xf32> to vector<1x1024xf32>
    %slice3A_14 = vector.extract_strided_slice %div3A_10 {offsets = [8, 0], sizes = [8, 1024], strides = [1, 1]} : vector<64x1024xf32> to vector<8x1024xf32>
    %reduce_max3A_15 = arith.constant dense<0xFF800000> : vector<1024xf32>
    %reduce_max3A_16 = vector.multi_reduction <maximumf>, %slice3A_14, %reduce_max3A_15 [0] : vector<8x1024xf32> to vector<1024xf32>
    %broadcast_in_dim3A_17 = vector.shape_cast %reduce_max3A_16 : vector<1024xf32> to vector<1x1024xf32>
    %slice3A_18 = vector.extract_strided_slice %div3A_10 {offsets = [16, 0], sizes = [8, 1024], strides = [1, 1]} : vector<64x1024xf32> to vector<8x1024xf32>
    %reduce_max3A_19 = arith.constant dense<0xFF800000> : vector<1024xf32>
    %reduce_max3A_20 = vector.multi_reduction <maximumf>, %slice3A_18, %reduce_max3A_19 [0] : vector<8x1024xf32> to vector<1024xf32>
    %broadcast_in_dim3A_21 = vector.shape_cast %reduce_max3A_20 : vector<1024xf32> to vector<1x1024xf32>
    %slice3A_22 = vector.extract_strided_slice %div3A_10 {offsets = [24, 0], sizes = [8, 1024], strides = [1, 1]} : vector<64x1024xf32> to vector<8x1024xf32>
    %reduce_max3A_23 = arith.constant dense<0xFF800000> : vector<1024xf32>
    %reduce_max3A_24 = vector.multi_reduction <maximumf>, %slice3A_22, %reduce_max3A_23 [0] : vector<8x1024xf32> to vector<1024xf32>
    %broadcast_in_dim3A_25 = vector.shape_cast %reduce_max3A_24 : vector<1024xf32> to vector<1x1024xf32>
    %slice3A_26 = vector.extract_strided_slice %div3A_10 {offsets = [32, 0], sizes = [8, 1024], strides = [1, 1]} : vector<64x1024xf32> to vector<8x1024xf32>
    %reduce_max3A_27 = arith.constant dense<0xFF800000> : vector<1024xf32>
    %reduce_max3A_28 = vector.multi_reduction <maximumf>, %slice3A_26, %reduce_max3A_27 [0] : vector<8x1024xf32> to vector<1024xf32>
    %broadcast_in_dim3A_29 = vector.shape_cast %reduce_max3A_28 : vector<1024xf32> to vector<1x1024xf32>
    %slice3A_30 = vector.extract_strided_slice %div3A_10 {offsets = [40, 0], sizes = [8, 1024], strides = [1, 1]} : vector<64x1024xf32> to vector<8x1024xf32>
    %reduce_max3A_31 = arith.constant dense<0xFF800000> : vector<1024xf32>
    %reduce_max3A_32 = vector.multi_reduction <maximumf>, %slice3A_30, %reduce_max3A_31 [0] : vector<8x1024xf32> to vector<1024xf32>
    %broadcast_in_dim3A_33 = vector.shape_cast %reduce_max3A_32 : vector<1024xf32> to vector<1x1024xf32>
    %slice3A_34 = vector.extract_strided_slice %div3A_10 {offsets = [48, 0], sizes = [8, 1024], strides = [1, 1]} : vector<64x1024xf32> to vector<8x1024xf32>
    %reduce_max3A_35 = arith.constant dense<0xFF800000> : vector<1024xf32>
    %reduce_max3A_36 = vector.multi_reduction <maximumf>, %slice3A_34, %reduce_max3A_35 [0] : vector<8x1024xf32> to vector<1024xf32>
    %broadcast_in_dim3A_37 = vector.shape_cast %reduce_max3A_36 : vector<1024xf32> to vector<1x1024xf32>
    %slice3A_38 = vector.extract_strided_slice %div3A_10 {offsets = [56, 0], sizes = [8, 1024], strides = [1, 1]} : vector<64x1024xf32> to vector<8x1024xf32>
    %reduce_max3A_39 = arith.constant dense<0xFF800000> : vector<1024xf32>
    %reduce_max3A_40 = vector.multi_reduction <maximumf>, %slice3A_38, %reduce_max3A_39 [0] : vector<8x1024xf32> to vector<1024xf32>
    %broadcast_in_dim3A_41 = vector.shape_cast %reduce_max3A_40 : vector<1024xf32> to vector<1x1024xf32>
    %broadcast_in_dim3A_42 = arith.constant 0xFF800000 : f32
    %broadcast_in_dim3A_43 = vector.broadcast %broadcast_in_dim3A_42 : f32 to vector<1x1024xf32>
    %max3A = arith.maximumf %broadcast_in_dim3A_13, %broadcast_in_dim3A_17 : vector<1x1024xf32>
    %max3A_44 = arith.maximumf %max3A, %broadcast_in_dim3A_21 : vector<1x1024xf32>
    %max3A_45 = arith.maximumf %max3A_44, %broadcast_in_dim3A_25 : vector<1x1024xf32>
    %max3A_46 = arith.maximumf %max3A_45, %broadcast_in_dim3A_29 : vector<1x1024xf32>
    %max3A_47 = arith.maximumf %max3A_46, %broadcast_in_dim3A_33 : vector<1x1024xf32>
    %max3A_48 = arith.maximumf %max3A_47, %broadcast_in_dim3A_37 : vector<1x1024xf32>
    %max3A_49 = arith.maximumf %max3A_48, %broadcast_in_dim3A_41 : vector<1x1024xf32>
    %broadcast_in_dim3A_50 = arith.constant 0 : i32
    %broadcast_in_dim3A_51 = vector.broadcast %broadcast_in_dim3A_50 : i32 to vector<1x1024xi32>
    %eq3A = arith.cmpf oeq, %broadcast_in_dim3A_13, %max3A_49 : vector<1x1024xf32>
    %eq3A_52 = arith.constant 0 : i32
    %eq3A_53 = vector.broadcast %eq3A_52 : i32 to vector<1x1024xi32>
    %eq3A_54 = arith.cmpi eq, %broadcast_in_dim3A_51, %eq3A_53 : vector<1x1024xi32>
    %and3A = arith.andi %eq3A, %eq3A_54 : vector<1x1024xi1>
    %jit3A = arith.constant 0.000000e+00 : f32
    %broadcast_in_dim3A_55 = vector.broadcast %jit3A : f32 to vector<1x1024xf32>
    %select_n3A = arith.select %and3A, %broadcast_in_dim3A_55, %broadcast_in_dim3A_43 : vector<1x1024xi1>, vector<1x1024xf32>
    %jit3A_56 = arith.constant 1 : i32
    %broadcast_in_dim3A_57 = vector.broadcast %jit3A_56 : i32 to vector<1x1024xi32>
    %select_n3A_58 = arith.select %and3A, %broadcast_in_dim3A_57, %broadcast_in_dim3A_51 : vector<1x1024xi1>, vector<1x1024xi32>
    %select_n3A_59 = arith.select %and3A, %broadcast_in_dim3A_43, %broadcast_in_dim3A_13 : vector<1x1024xi1>, vector<1x1024xf32>
    %eq3A_60 = arith.cmpf oeq, %broadcast_in_dim3A_17, %max3A_49 : vector<1x1024xf32>
    %eq3A_61 = arith.constant 0 : i32
    %eq3A_62 = vector.broadcast %eq3A_61 : i32 to vector<1x1024xi32>
    %eq3A_63 = arith.cmpi eq, %select_n3A_58, %eq3A_62 : vector<1x1024xi32>
    %and3A_64 = arith.andi %eq3A_60, %eq3A_63 : vector<1x1024xi1>
    %jit3A_65 = arith.constant 0.000000e+00 : f32
    %broadcast_in_dim3A_66 = vector.broadcast %jit3A_65 : f32 to vector<1x1024xf32>
    %select_n3A_67 = arith.select %and3A_64, %broadcast_in_dim3A_66, %broadcast_in_dim3A_43 : vector<1x1024xi1>, vector<1x1024xf32>
    %jit3A_68 = arith.constant 1 : i32
    %broadcast_in_dim3A_69 = vector.broadcast %jit3A_68 : i32 to vector<1x1024xi32>
    %select_n3A_70 = arith.select %and3A_64, %broadcast_in_dim3A_69, %select_n3A_58 : vector<1x1024xi1>, vector<1x1024xi32>
    %select_n3A_71 = arith.select %and3A_64, %broadcast_in_dim3A_43, %broadcast_in_dim3A_17 : vector<1x1024xi1>, vector<1x1024xf32>
    %eq3A_72 = arith.cmpf oeq, %broadcast_in_dim3A_21, %max3A_49 : vector<1x1024xf32>
    %eq3A_73 = arith.constant 0 : i32
    %eq3A_74 = vector.broadcast %eq3A_73 : i32 to vector<1x1024xi32>
    %eq3A_75 = arith.cmpi eq, %select_n3A_70, %eq3A_74 : vector<1x1024xi32>
    %and3A_76 = arith.andi %eq3A_72, %eq3A_75 : vector<1x1024xi1>
    %jit3A_77 = arith.constant 0.000000e+00 : f32
    %broadcast_in_dim3A_78 = vector.broadcast %jit3A_77 : f32 to vector<1x1024xf32>
    %select_n3A_79 = arith.select %and3A_76, %broadcast_in_dim3A_78, %broadcast_in_dim3A_43 : vector<1x1024xi1>, vector<1x1024xf32>
    %jit3A_80 = arith.constant 1 : i32
    %broadcast_in_dim3A_81 = vector.broadcast %jit3A_80 : i32 to vector<1x1024xi32>
    %select_n3A_82 = arith.select %and3A_76, %broadcast_in_dim3A_81, %select_n3A_70 : vector<1x1024xi1>, vector<1x1024xi32>
    %select_n3A_83 = arith.select %and3A_76, %broadcast_in_dim3A_43, %broadcast_in_dim3A_21 : vector<1x1024xi1>, vector<1x1024xf32>
    %eq3A_84 = arith.cmpf oeq, %broadcast_in_dim3A_25, %max3A_49 : vector<1x1024xf32>
    %eq3A_85 = arith.constant 0 : i32
    %eq3A_86 = vector.broadcast %eq3A_85 : i32 to vector<1x1024xi32>
    %eq3A_87 = arith.cmpi eq, %select_n3A_82, %eq3A_86 : vector<1x1024xi32>
    %and3A_88 = arith.andi %eq3A_84, %eq3A_87 : vector<1x1024xi1>
    %jit3A_89 = arith.constant 0.000000e+00 : f32
    %broadcast_in_dim3A_90 = vector.broadcast %jit3A_89 : f32 to vector<1x1024xf32>
    %select_n3A_91 = arith.select %and3A_88, %broadcast_in_dim3A_90, %broadcast_in_dim3A_43 : vector<1x1024xi1>, vector<1x1024xf32>
    %jit3A_92 = arith.constant 1 : i32
    %broadcast_in_dim3A_93 = vector.broadcast %jit3A_92 : i32 to vector<1x1024xi32>
    %select_n3A_94 = arith.select %and3A_88, %broadcast_in_dim3A_93, %select_n3A_82 : vector<1x1024xi1>, vector<1x1024xi32>
    %select_n3A_95 = arith.select %and3A_88, %broadcast_in_dim3A_43, %broadcast_in_dim3A_25 : vector<1x1024xi1>, vector<1x1024xf32>
    %eq3A_96 = arith.cmpf oeq, %broadcast_in_dim3A_29, %max3A_49 : vector<1x1024xf32>
    %eq3A_97 = arith.constant 0 : i32
    %eq3A_98 = vector.broadcast %eq3A_97 : i32 to vector<1x1024xi32>
    %eq3A_99 = arith.cmpi eq, %select_n3A_94, %eq3A_98 : vector<1x1024xi32>
    %and3A_100 = arith.andi %eq3A_96, %eq3A_99 : vector<1x1024xi1>
    %jit3A_101 = arith.constant 0.000000e+00 : f32
    %broadcast_in_dim3A_102 = vector.broadcast %jit3A_101 : f32 to vector<1x1024xf32>
    %select_n3A_103 = arith.select %and3A_100, %broadcast_in_dim3A_102, %broadcast_in_dim3A_43 : vector<1x1024xi1>, vector<1x1024xf32>
    %jit3A_104 = arith.constant 1 : i32
    %broadcast_in_dim3A_105 = vector.broadcast %jit3A_104 : i32 to vector<1x1024xi32>
    %select_n3A_106 = arith.select %and3A_100, %broadcast_in_dim3A_105, %select_n3A_94 : vector<1x1024xi1>, vector<1x1024xi32>
    %select_n3A_107 = arith.select %and3A_100, %broadcast_in_dim3A_43, %broadcast_in_dim3A_29 : vector<1x1024xi1>, vector<1x1024xf32>
    %eq3A_108 = arith.cmpf oeq, %broadcast_in_dim3A_33, %max3A_49 : vector<1x1024xf32>
    %eq3A_109 = arith.constant 0 : i32
    %eq3A_110 = vector.broadcast %eq3A_109 : i32 to vector<1x1024xi32>
    %eq3A_111 = arith.cmpi eq, %select_n3A_106, %eq3A_110 : vector<1x1024xi32>
    %and3A_112 = arith.andi %eq3A_108, %eq3A_111 : vector<1x1024xi1>
    %jit3A_113 = arith.constant 0.000000e+00 : f32
    %broadcast_in_dim3A_114 = vector.broadcast %jit3A_113 : f32 to vector<1x1024xf32>
    %select_n3A_115 = arith.select %and3A_112, %broadcast_in_dim3A_114, %broadcast_in_dim3A_43 : vector<1x1024xi1>, vector<1x1024xf32>
    %jit3A_116 = arith.constant 1 : i32
    %broadcast_in_dim3A_117 = vector.broadcast %jit3A_116 : i32 to vector<1x1024xi32>
    %select_n3A_118 = arith.select %and3A_112, %broadcast_in_dim3A_117, %select_n3A_106 : vector<1x1024xi1>, vector<1x1024xi32>
    %select_n3A_119 = arith.select %and3A_112, %broadcast_in_dim3A_43, %broadcast_in_dim3A_33 : vector<1x1024xi1>, vector<1x1024xf32>
    %eq3A_120 = arith.cmpf oeq, %broadcast_in_dim3A_37, %max3A_49 : vector<1x1024xf32>
    %eq3A_121 = arith.constant 0 : i32
    %eq3A_122 = vector.broadcast %eq3A_121 : i32 to vector<1x1024xi32>
    %eq3A_123 = arith.cmpi eq, %select_n3A_118, %eq3A_122 : vector<1x1024xi32>
    %and3A_124 = arith.andi %eq3A_120, %eq3A_123 : vector<1x1024xi1>
    %jit3A_125 = arith.constant 0.000000e+00 : f32
    %broadcast_in_dim3A_126 = vector.broadcast %jit3A_125 : f32 to vector<1x1024xf32>
    %select_n3A_127 = arith.select %and3A_124, %broadcast_in_dim3A_126, %broadcast_in_dim3A_43 : vector<1x1024xi1>, vector<1x1024xf32>
    %jit3A_128 = arith.constant 1 : i32
    %broadcast_in_dim3A_129 = vector.broadcast %jit3A_128 : i32 to vector<1x1024xi32>
    %select_n3A_130 = arith.select %and3A_124, %broadcast_in_dim3A_129, %select_n3A_118 : vector<1x1024xi1>, vector<1x1024xi32>
    %select_n3A_131 = arith.select %and3A_124, %broadcast_in_dim3A_43, %broadcast_in_dim3A_37 : vector<1x1024xi1>, vector<1x1024xf32>
    %eq3A_132 = arith.cmpf oeq, %broadcast_in_dim3A_41, %max3A_49 : vector<1x1024xf32>
    %eq3A_133 = arith.constant 0 : i32
    %eq3A_134 = vector.broadcast %eq3A_133 : i32 to vector<1x1024xi32>
    %eq3A_135 = arith.cmpi eq, %select_n3A_130, %eq3A_134 : vector<1x1024xi32>
    %and3A_136 = arith.andi %eq3A_132, %eq3A_135 : vector<1x1024xi1>
    %jit3A_137 = arith.constant 0.000000e+00 : f32
    %broadcast_in_dim3A_138 = vector.broadcast %jit3A_137 : f32 to vector<1x1024xf32>
    %select_n3A_139 = arith.select %and3A_136, %broadcast_in_dim3A_138, %broadcast_in_dim3A_43 : vector<1x1024xi1>, vector<1x1024xf32>
    %select_n3A_140 = arith.select %and3A_136, %broadcast_in_dim3A_43, %broadcast_in_dim3A_41 : vector<1x1024xi1>, vector<1x1024xf32>
    %max3A_141 = arith.maximumf %select_n3A_59, %select_n3A_71 : vector<1x1024xf32>
    %max3A_142 = arith.maximumf %max3A_141, %select_n3A_83 : vector<1x1024xf32>
    %max3A_143 = arith.maximumf %max3A_142, %select_n3A_95 : vector<1x1024xf32>
    %max3A_144 = arith.maximumf %max3A_143, %select_n3A_107 : vector<1x1024xf32>
    %max3A_145 = arith.maximumf %max3A_144, %select_n3A_119 : vector<1x1024xf32>
    %max3A_146 = arith.maximumf %max3A_145, %select_n3A_131 : vector<1x1024xf32>
    %max3A_147 = arith.maximumf %max3A_146, %select_n3A_140 : vector<1x1024xf32>
    %broadcast_in_dim3A_148 = arith.constant 0 : i32
    %broadcast_in_dim3A_149 = vector.broadcast %broadcast_in_dim3A_148 : i32 to vector<1x1024xi32>
    %eq3A_150 = arith.cmpf oeq, %select_n3A_59, %max3A_147 : vector<1x1024xf32>
    %eq3A_151 = arith.constant 0 : i32
    %eq3A_152 = vector.broadcast %eq3A_151 : i32 to vector<1x1024xi32>
    %eq3A_153 = arith.cmpi eq, %broadcast_in_dim3A_149, %eq3A_152 : vector<1x1024xi32>
    %and3A_154 = arith.andi %eq3A_150, %eq3A_153 : vector<1x1024xi1>
    %jit3A_155 = arith.constant 0.000000e+00 : f32
    %broadcast_in_dim3A_156 = vector.broadcast %jit3A_155 : f32 to vector<1x1024xf32>
    %select_n3A_157 = arith.select %and3A_154, %broadcast_in_dim3A_156, %select_n3A : vector<1x1024xi1>, vector<1x1024xf32>
    %jit3A_158 = arith.constant 1 : i32
    %broadcast_in_dim3A_159 = vector.broadcast %jit3A_158 : i32 to vector<1x1024xi32>
    %select_n3A_160 = arith.select %and3A_154, %broadcast_in_dim3A_159, %broadcast_in_dim3A_149 : vector<1x1024xi1>, vector<1x1024xi32>
    %select_n3A_161 = arith.select %and3A_154, %broadcast_in_dim3A_43, %select_n3A_59 : vector<1x1024xi1>, vector<1x1024xf32>
    %eq3A_162 = arith.cmpf oeq, %select_n3A_71, %max3A_147 : vector<1x1024xf32>
    %eq3A_163 = arith.constant 0 : i32
    %eq3A_164 = vector.broadcast %eq3A_163 : i32 to vector<1x1024xi32>
    %eq3A_165 = arith.cmpi eq, %select_n3A_160, %eq3A_164 : vector<1x1024xi32>
    %and3A_166 = arith.andi %eq3A_162, %eq3A_165 : vector<1x1024xi1>
    %jit3A_167 = arith.constant 0.000000e+00 : f32
    %broadcast_in_dim3A_168 = vector.broadcast %jit3A_167 : f32 to vector<1x1024xf32>
    %select_n3A_169 = arith.select %and3A_166, %broadcast_in_dim3A_168, %select_n3A_67 : vector<1x1024xi1>, vector<1x1024xf32>
    %jit3A_170 = arith.constant 1 : i32
    %broadcast_in_dim3A_171 = vector.broadcast %jit3A_170 : i32 to vector<1x1024xi32>
    %select_n3A_172 = arith.select %and3A_166, %broadcast_in_dim3A_171, %select_n3A_160 : vector<1x1024xi1>, vector<1x1024xi32>
    %select_n3A_173 = arith.select %and3A_166, %broadcast_in_dim3A_43, %select_n3A_71 : vector<1x1024xi1>, vector<1x1024xf32>
    %eq3A_174 = arith.cmpf oeq, %select_n3A_83, %max3A_147 : vector<1x1024xf32>
    %eq3A_175 = arith.constant 0 : i32
    %eq3A_176 = vector.broadcast %eq3A_175 : i32 to vector<1x1024xi32>
    %eq3A_177 = arith.cmpi eq, %select_n3A_172, %eq3A_176 : vector<1x1024xi32>
    %and3A_178 = arith.andi %eq3A_174, %eq3A_177 : vector<1x1024xi1>
    %jit3A_179 = arith.constant 0.000000e+00 : f32
    %broadcast_in_dim3A_180 = vector.broadcast %jit3A_179 : f32 to vector<1x1024xf32>
    %select_n3A_181 = arith.select %and3A_178, %broadcast_in_dim3A_180, %select_n3A_79 : vector<1x1024xi1>, vector<1x1024xf32>
    %jit3A_182 = arith.constant 1 : i32
    %broadcast_in_dim3A_183 = vector.broadcast %jit3A_182 : i32 to vector<1x1024xi32>
    %select_n3A_184 = arith.select %and3A_178, %broadcast_in_dim3A_183, %select_n3A_172 : vector<1x1024xi1>, vector<1x1024xi32>
    %select_n3A_185 = arith.select %and3A_178, %broadcast_in_dim3A_43, %select_n3A_83 : vector<1x1024xi1>, vector<1x1024xf32>
    %eq3A_186 = arith.cmpf oeq, %select_n3A_95, %max3A_147 : vector<1x1024xf32>
    %eq3A_187 = arith.constant 0 : i32
    %eq3A_188 = vector.broadcast %eq3A_187 : i32 to vector<1x1024xi32>
    %eq3A_189 = arith.cmpi eq, %select_n3A_184, %eq3A_188 : vector<1x1024xi32>
    %and3A_190 = arith.andi %eq3A_186, %eq3A_189 : vector<1x1024xi1>
    %jit3A_191 = arith.constant 0.000000e+00 : f32
    %broadcast_in_dim3A_192 = vector.broadcast %jit3A_191 : f32 to vector<1x1024xf32>
    %select_n3A_193 = arith.select %and3A_190, %broadcast_in_dim3A_192, %select_n3A_91 : vector<1x1024xi1>, vector<1x1024xf32>
    %jit3A_194 = arith.constant 1 : i32
    %broadcast_in_dim3A_195 = vector.broadcast %jit3A_194 : i32 to vector<1x1024xi32>
    %select_n3A_196 = arith.select %and3A_190, %broadcast_in_dim3A_195, %select_n3A_184 : vector<1x1024xi1>, vector<1x1024xi32>
    %select_n3A_197 = arith.select %and3A_190, %broadcast_in_dim3A_43, %select_n3A_95 : vector<1x1024xi1>, vector<1x1024xf32>
    %eq3A_198 = arith.cmpf oeq, %select_n3A_107, %max3A_147 : vector<1x1024xf32>
    %eq3A_199 = arith.constant 0 : i32
    %eq3A_200 = vector.broadcast %eq3A_199 : i32 to vector<1x1024xi32>
    %eq3A_201 = arith.cmpi eq, %select_n3A_196, %eq3A_200 : vector<1x1024xi32>
    %and3A_202 = arith.andi %eq3A_198, %eq3A_201 : vector<1x1024xi1>
    %jit3A_203 = arith.constant 0.000000e+00 : f32
    %broadcast_in_dim3A_204 = vector.broadcast %jit3A_203 : f32 to vector<1x1024xf32>
    %select_n3A_205 = arith.select %and3A_202, %broadcast_in_dim3A_204, %select_n3A_103 : vector<1x1024xi1>, vector<1x1024xf32>
    %jit3A_206 = arith.constant 1 : i32
    %broadcast_in_dim3A_207 = vector.broadcast %jit3A_206 : i32 to vector<1x1024xi32>
    %select_n3A_208 = arith.select %and3A_202, %broadcast_in_dim3A_207, %select_n3A_196 : vector<1x1024xi1>, vector<1x1024xi32>
    %select_n3A_209 = arith.select %and3A_202, %broadcast_in_dim3A_43, %select_n3A_107 : vector<1x1024xi1>, vector<1x1024xf32>
    %eq3A_210 = arith.cmpf oeq, %select_n3A_119, %max3A_147 : vector<1x1024xf32>
    %eq3A_211 = arith.constant 0 : i32
    %eq3A_212 = vector.broadcast %eq3A_211 : i32 to vector<1x1024xi32>
    %eq3A_213 = arith.cmpi eq, %select_n3A_208, %eq3A_212 : vector<1x1024xi32>
    %and3A_214 = arith.andi %eq3A_210, %eq3A_213 : vector<1x1024xi1>
    %jit3A_215 = arith.constant 0.000000e+00 : f32
    %broadcast_in_dim3A_216 = vector.broadcast %jit3A_215 : f32 to vector<1x1024xf32>
    %select_n3A_217 = arith.select %and3A_214, %broadcast_in_dim3A_216, %select_n3A_115 : vector<1x1024xi1>, vector<1x1024xf32>
    %jit3A_218 = arith.constant 1 : i32
    %broadcast_in_dim3A_219 = vector.broadcast %jit3A_218 : i32 to vector<1x1024xi32>
    %select_n3A_220 = arith.select %and3A_214, %broadcast_in_dim3A_219, %select_n3A_208 : vector<1x1024xi1>, vector<1x1024xi32>
    %select_n3A_221 = arith.select %and3A_214, %broadcast_in_dim3A_43, %select_n3A_119 : vector<1x1024xi1>, vector<1x1024xf32>
    %eq3A_222 = arith.cmpf oeq, %select_n3A_131, %max3A_147 : vector<1x1024xf32>
    %eq3A_223 = arith.constant 0 : i32
    %eq3A_224 = vector.broadcast %eq3A_223 : i32 to vector<1x1024xi32>
    %eq3A_225 = arith.cmpi eq, %select_n3A_220, %eq3A_224 : vector<1x1024xi32>
    %and3A_226 = arith.andi %eq3A_222, %eq3A_225 : vector<1x1024xi1>
    %jit3A_227 = arith.constant 0.000000e+00 : f32
    %broadcast_in_dim3A_228 = vector.broadcast %jit3A_227 : f32 to vector<1x1024xf32>
    %select_n3A_229 = arith.select %and3A_226, %broadcast_in_dim3A_228, %select_n3A_127 : vector<1x1024xi1>, vector<1x1024xf32>
    %jit3A_230 = arith.constant 1 : i32
    %broadcast_in_dim3A_231 = vector.broadcast %jit3A_230 : i32 to vector<1x1024xi32>
    %select_n3A_232 = arith.select %and3A_226, %broadcast_in_dim3A_231, %select_n3A_220 : vector<1x1024xi1>, vector<1x1024xi32>
    %select_n3A_233 = arith.select %and3A_226, %broadcast_in_dim3A_43, %select_n3A_131 : vector<1x1024xi1>, vector<1x1024xf32>
    %eq3A_234 = arith.cmpf oeq, %select_n3A_140, %max3A_147 : vector<1x1024xf32>
    %eq3A_235 = arith.constant 0 : i32
    %eq3A_236 = vector.broadcast %eq3A_235 : i32 to vector<1x1024xi32>
    %eq3A_237 = arith.cmpi eq, %select_n3A_232, %eq3A_236 : vector<1x1024xi32>
    %and3A_238 = arith.andi %eq3A_234, %eq3A_237 : vector<1x1024xi1>
    %jit3A_239 = arith.constant 0.000000e+00 : f32
    %broadcast_in_dim3A_240 = vector.broadcast %jit3A_239 : f32 to vector<1x1024xf32>
    %select_n3A_241 = arith.select %and3A_238, %broadcast_in_dim3A_240, %select_n3A_139 : vector<1x1024xi1>, vector<1x1024xf32>
    %select_n3A_242 = arith.select %and3A_238, %broadcast_in_dim3A_43, %select_n3A_140 : vector<1x1024xi1>, vector<1x1024xf32>
    %max3A_243 = arith.maximumf %select_n3A_161, %select_n3A_173 : vector<1x1024xf32>
    %max3A_244 = arith.maximumf %max3A_243, %select_n3A_185 : vector<1x1024xf32>
    %max3A_245 = arith.maximumf %max3A_244, %select_n3A_197 : vector<1x1024xf32>
    %max3A_246 = arith.maximumf %max3A_245, %select_n3A_209 : vector<1x1024xf32>
    %max3A_247 = arith.maximumf %max3A_246, %select_n3A_221 : vector<1x1024xf32>
    %max3A_248 = arith.maximumf %max3A_247, %select_n3A_233 : vector<1x1024xf32>
    %max3A_249 = arith.maximumf %max3A_248, %select_n3A_242 : vector<1x1024xf32>
    %broadcast_in_dim3A_250 = arith.constant 0 : i32
    %broadcast_in_dim3A_251 = vector.broadcast %broadcast_in_dim3A_250 : i32 to vector<1x1024xi32>
    %eq3A_252 = arith.cmpf oeq, %select_n3A_161, %max3A_249 : vector<1x1024xf32>
    %eq3A_253 = arith.constant 0 : i32
    %eq3A_254 = vector.broadcast %eq3A_253 : i32 to vector<1x1024xi32>
    %eq3A_255 = arith.cmpi eq, %broadcast_in_dim3A_251, %eq3A_254 : vector<1x1024xi32>
    %and3A_256 = arith.andi %eq3A_252, %eq3A_255 : vector<1x1024xi1>
    %jit3A_257 = arith.constant 0.000000e+00 : f32
    %broadcast_in_dim3A_258 = vector.broadcast %jit3A_257 : f32 to vector<1x1024xf32>
    %select_n3A_259 = arith.select %and3A_256, %broadcast_in_dim3A_258, %select_n3A_157 : vector<1x1024xi1>, vector<1x1024xf32>
    %jit3A_260 = arith.constant 1 : i32
    %broadcast_in_dim3A_261 = vector.broadcast %jit3A_260 : i32 to vector<1x1024xi32>
    %select_n3A_262 = arith.select %and3A_256, %broadcast_in_dim3A_261, %broadcast_in_dim3A_251 : vector<1x1024xi1>, vector<1x1024xi32>
    %select_n3A_263 = arith.select %and3A_256, %broadcast_in_dim3A_43, %select_n3A_161 : vector<1x1024xi1>, vector<1x1024xf32>
    %eq3A_264 = arith.cmpf oeq, %select_n3A_173, %max3A_249 : vector<1x1024xf32>
    %eq3A_265 = arith.constant 0 : i32
    %eq3A_266 = vector.broadcast %eq3A_265 : i32 to vector<1x1024xi32>
    %eq3A_267 = arith.cmpi eq, %select_n3A_262, %eq3A_266 : vector<1x1024xi32>
    %and3A_268 = arith.andi %eq3A_264, %eq3A_267 : vector<1x1024xi1>
    %jit3A_269 = arith.constant 0.000000e+00 : f32
    %broadcast_in_dim3A_270 = vector.broadcast %jit3A_269 : f32 to vector<1x1024xf32>
    %select_n3A_271 = arith.select %and3A_268, %broadcast_in_dim3A_270, %select_n3A_169 : vector<1x1024xi1>, vector<1x1024xf32>
    %jit3A_272 = arith.constant 1 : i32
    %broadcast_in_dim3A_273 = vector.broadcast %jit3A_272 : i32 to vector<1x1024xi32>
    %select_n3A_274 = arith.select %and3A_268, %broadcast_in_dim3A_273, %select_n3A_262 : vector<1x1024xi1>, vector<1x1024xi32>
    %select_n3A_275 = arith.select %and3A_268, %broadcast_in_dim3A_43, %select_n3A_173 : vector<1x1024xi1>, vector<1x1024xf32>
    %eq3A_276 = arith.cmpf oeq, %select_n3A_185, %max3A_249 : vector<1x1024xf32>
    %eq3A_277 = arith.constant 0 : i32
    %eq3A_278 = vector.broadcast %eq3A_277 : i32 to vector<1x1024xi32>
    %eq3A_279 = arith.cmpi eq, %select_n3A_274, %eq3A_278 : vector<1x1024xi32>
    %and3A_280 = arith.andi %eq3A_276, %eq3A_279 : vector<1x1024xi1>
    %jit3A_281 = arith.constant 0.000000e+00 : f32
    %broadcast_in_dim3A_282 = vector.broadcast %jit3A_281 : f32 to vector<1x1024xf32>
    %select_n3A_283 = arith.select %and3A_280, %broadcast_in_dim3A_282, %select_n3A_181 : vector<1x1024xi1>, vector<1x1024xf32>
    %jit3A_284 = arith.constant 1 : i32
    %broadcast_in_dim3A_285 = vector.broadcast %jit3A_284 : i32 to vector<1x1024xi32>
    %select_n3A_286 = arith.select %and3A_280, %broadcast_in_dim3A_285, %select_n3A_274 : vector<1x1024xi1>, vector<1x1024xi32>
    %select_n3A_287 = arith.select %and3A_280, %broadcast_in_dim3A_43, %select_n3A_185 : vector<1x1024xi1>, vector<1x1024xf32>
    %eq3A_288 = arith.cmpf oeq, %select_n3A_197, %max3A_249 : vector<1x1024xf32>
    %eq3A_289 = arith.constant 0 : i32
    %eq3A_290 = vector.broadcast %eq3A_289 : i32 to vector<1x1024xi32>
    %eq3A_291 = arith.cmpi eq, %select_n3A_286, %eq3A_290 : vector<1x1024xi32>
    %and3A_292 = arith.andi %eq3A_288, %eq3A_291 : vector<1x1024xi1>
    %jit3A_293 = arith.constant 0.000000e+00 : f32
    %broadcast_in_dim3A_294 = vector.broadcast %jit3A_293 : f32 to vector<1x1024xf32>
    %select_n3A_295 = arith.select %and3A_292, %broadcast_in_dim3A_294, %select_n3A_193 : vector<1x1024xi1>, vector<1x1024xf32>
    %jit3A_296 = arith.constant 1 : i32
    %broadcast_in_dim3A_297 = vector.broadcast %jit3A_296 : i32 to vector<1x1024xi32>
    %select_n3A_298 = arith.select %and3A_292, %broadcast_in_dim3A_297, %select_n3A_286 : vector<1x1024xi1>, vector<1x1024xi32>
    %select_n3A_299 = arith.select %and3A_292, %broadcast_in_dim3A_43, %select_n3A_197 : vector<1x1024xi1>, vector<1x1024xf32>
    %eq3A_300 = arith.cmpf oeq, %select_n3A_209, %max3A_249 : vector<1x1024xf32>
    %eq3A_301 = arith.constant 0 : i32
    %eq3A_302 = vector.broadcast %eq3A_301 : i32 to vector<1x1024xi32>
    %eq3A_303 = arith.cmpi eq, %select_n3A_298, %eq3A_302 : vector<1x1024xi32>
    %and3A_304 = arith.andi %eq3A_300, %eq3A_303 : vector<1x1024xi1>
    %jit3A_305 = arith.constant 0.000000e+00 : f32
    %broadcast_in_dim3A_306 = vector.broadcast %jit3A_305 : f32 to vector<1x1024xf32>
    %select_n3A_307 = arith.select %and3A_304, %broadcast_in_dim3A_306, %select_n3A_205 : vector<1x1024xi1>, vector<1x1024xf32>
    %jit3A_308 = arith.constant 1 : i32
    %broadcast_in_dim3A_309 = vector.broadcast %jit3A_308 : i32 to vector<1x1024xi32>
    %select_n3A_310 = arith.select %and3A_304, %broadcast_in_dim3A_309, %select_n3A_298 : vector<1x1024xi1>, vector<1x1024xi32>
    %select_n3A_311 = arith.select %and3A_304, %broadcast_in_dim3A_43, %select_n3A_209 : vector<1x1024xi1>, vector<1x1024xf32>
    %eq3A_312 = arith.cmpf oeq, %select_n3A_221, %max3A_249 : vector<1x1024xf32>
    %eq3A_313 = arith.constant 0 : i32
    %eq3A_314 = vector.broadcast %eq3A_313 : i32 to vector<1x1024xi32>
    %eq3A_315 = arith.cmpi eq, %select_n3A_310, %eq3A_314 : vector<1x1024xi32>
    %and3A_316 = arith.andi %eq3A_312, %eq3A_315 : vector<1x1024xi1>
    %jit3A_317 = arith.constant 0.000000e+00 : f32
    %broadcast_in_dim3A_318 = vector.broadcast %jit3A_317 : f32 to vector<1x1024xf32>
    %select_n3A_319 = arith.select %and3A_316, %broadcast_in_dim3A_318, %select_n3A_217 : vector<1x1024xi1>, vector<1x1024xf32>
    %jit3A_320 = arith.constant 1 : i32
    %broadcast_in_dim3A_321 = vector.broadcast %jit3A_320 : i32 to vector<1x1024xi32>
    %select_n3A_322 = arith.select %and3A_316, %broadcast_in_dim3A_321, %select_n3A_310 : vector<1x1024xi1>, vector<1x1024xi32>
    %select_n3A_323 = arith.select %and3A_316, %broadcast_in_dim3A_43, %select_n3A_221 : vector<1x1024xi1>, vector<1x1024xf32>
    %eq3A_324 = arith.cmpf oeq, %select_n3A_233, %max3A_249 : vector<1x1024xf32>
    %eq3A_325 = arith.constant 0 : i32
    %eq3A_326 = vector.broadcast %eq3A_325 : i32 to vector<1x1024xi32>
    %eq3A_327 = arith.cmpi eq, %select_n3A_322, %eq3A_326 : vector<1x1024xi32>
    %and3A_328 = arith.andi %eq3A_324, %eq3A_327 : vector<1x1024xi1>
    %jit3A_329 = arith.constant 0.000000e+00 : f32
    %broadcast_in_dim3A_330 = vector.broadcast %jit3A_329 : f32 to vector<1x1024xf32>
    %select_n3A_331 = arith.select %and3A_328, %broadcast_in_dim3A_330, %select_n3A_229 : vector<1x1024xi1>, vector<1x1024xf32>
    %jit3A_332 = arith.constant 1 : i32
    %broadcast_in_dim3A_333 = vector.broadcast %jit3A_332 : i32 to vector<1x1024xi32>
    %select_n3A_334 = arith.select %and3A_328, %broadcast_in_dim3A_333, %select_n3A_322 : vector<1x1024xi1>, vector<1x1024xi32>
    %select_n3A_335 = arith.select %and3A_328, %broadcast_in_dim3A_43, %select_n3A_233 : vector<1x1024xi1>, vector<1x1024xf32>
    %eq3A_336 = arith.cmpf oeq, %select_n3A_242, %max3A_249 : vector<1x1024xf32>
    %eq3A_337 = arith.constant 0 : i32
    %eq3A_338 = vector.broadcast %eq3A_337 : i32 to vector<1x1024xi32>
    %eq3A_339 = arith.cmpi eq, %select_n3A_334, %eq3A_338 : vector<1x1024xi32>
    %and3A_340 = arith.andi %eq3A_336, %eq3A_339 : vector<1x1024xi1>
    %jit3A_341 = arith.constant 0.000000e+00 : f32
    %broadcast_in_dim3A_342 = vector.broadcast %jit3A_341 : f32 to vector<1x1024xf32>
    %select_n3A_343 = arith.select %and3A_340, %broadcast_in_dim3A_342, %select_n3A_241 : vector<1x1024xi1>, vector<1x1024xf32>
    %select_n3A_344 = arith.select %and3A_340, %broadcast_in_dim3A_43, %select_n3A_242 : vector<1x1024xi1>, vector<1x1024xf32>
    %max3A_345 = arith.maximumf %select_n3A_263, %select_n3A_275 : vector<1x1024xf32>
    %max3A_346 = arith.maximumf %max3A_345, %select_n3A_287 : vector<1x1024xf32>
    %max3A_347 = arith.maximumf %max3A_346, %select_n3A_299 : vector<1x1024xf32>
    %max3A_348 = arith.maximumf %max3A_347, %select_n3A_311 : vector<1x1024xf32>
    %max3A_349 = arith.maximumf %max3A_348, %select_n3A_323 : vector<1x1024xf32>
    %max3A_350 = arith.maximumf %max3A_349, %select_n3A_335 : vector<1x1024xf32>
    %max3A_351 = arith.maximumf %max3A_350, %select_n3A_344 : vector<1x1024xf32>
    %broadcast_in_dim3A_352 = arith.constant 0 : i32
    %broadcast_in_dim3A_353 = vector.broadcast %broadcast_in_dim3A_352 : i32 to vector<1x1024xi32>
    %eq3A_354 = arith.cmpf oeq, %select_n3A_263, %max3A_351 : vector<1x1024xf32>
    %eq3A_355 = arith.constant 0 : i32
    %eq3A_356 = vector.broadcast %eq3A_355 : i32 to vector<1x1024xi32>
    %eq3A_357 = arith.cmpi eq, %broadcast_in_dim3A_353, %eq3A_356 : vector<1x1024xi32>
    %and3A_358 = arith.andi %eq3A_354, %eq3A_357 : vector<1x1024xi1>
    %jit3A_359 = arith.constant 0.000000e+00 : f32
    %broadcast_in_dim3A_360 = vector.broadcast %jit3A_359 : f32 to vector<1x1024xf32>
    %select_n3A_361 = arith.select %and3A_358, %broadcast_in_dim3A_360, %select_n3A_259 : vector<1x1024xi1>, vector<1x1024xf32>
    %jit3A_362 = arith.constant 1 : i32
    %broadcast_in_dim3A_363 = vector.broadcast %jit3A_362 : i32 to vector<1x1024xi32>
    %select_n3A_364 = arith.select %and3A_358, %broadcast_in_dim3A_363, %broadcast_in_dim3A_353 : vector<1x1024xi1>, vector<1x1024xi32>
    %eq3A_365 = arith.cmpf oeq, %select_n3A_275, %max3A_351 : vector<1x1024xf32>
    %eq3A_366 = arith.constant 0 : i32
    %eq3A_367 = vector.broadcast %eq3A_366 : i32 to vector<1x1024xi32>
    %eq3A_368 = arith.cmpi eq, %select_n3A_364, %eq3A_367 : vector<1x1024xi32>
    %and3A_369 = arith.andi %eq3A_365, %eq3A_368 : vector<1x1024xi1>
    %jit3A_370 = arith.constant 0.000000e+00 : f32
    %broadcast_in_dim3A_371 = vector.broadcast %jit3A_370 : f32 to vector<1x1024xf32>
    %select_n3A_372 = arith.select %and3A_369, %broadcast_in_dim3A_371, %select_n3A_271 : vector<1x1024xi1>, vector<1x1024xf32>
    %jit3A_373 = arith.constant 1 : i32
    %broadcast_in_dim3A_374 = vector.broadcast %jit3A_373 : i32 to vector<1x1024xi32>
    %select_n3A_375 = arith.select %and3A_369, %broadcast_in_dim3A_374, %select_n3A_364 : vector<1x1024xi1>, vector<1x1024xi32>
    %eq3A_376 = arith.cmpf oeq, %select_n3A_287, %max3A_351 : vector<1x1024xf32>
    %eq3A_377 = arith.constant 0 : i32
    %eq3A_378 = vector.broadcast %eq3A_377 : i32 to vector<1x1024xi32>
    %eq3A_379 = arith.cmpi eq, %select_n3A_375, %eq3A_378 : vector<1x1024xi32>
    %and3A_380 = arith.andi %eq3A_376, %eq3A_379 : vector<1x1024xi1>
    %jit3A_381 = arith.constant 0.000000e+00 : f32
    %broadcast_in_dim3A_382 = vector.broadcast %jit3A_381 : f32 to vector<1x1024xf32>
    %select_n3A_383 = arith.select %and3A_380, %broadcast_in_dim3A_382, %select_n3A_283 : vector<1x1024xi1>, vector<1x1024xf32>
    %jit3A_384 = arith.constant 1 : i32
    %broadcast_in_dim3A_385 = vector.broadcast %jit3A_384 : i32 to vector<1x1024xi32>
    %select_n3A_386 = arith.select %and3A_380, %broadcast_in_dim3A_385, %select_n3A_375 : vector<1x1024xi1>, vector<1x1024xi32>
    %eq3A_387 = arith.cmpf oeq, %select_n3A_299, %max3A_351 : vector<1x1024xf32>
    %eq3A_388 = arith.constant 0 : i32
    %eq3A_389 = vector.broadcast %eq3A_388 : i32 to vector<1x1024xi32>
    %eq3A_390 = arith.cmpi eq, %select_n3A_386, %eq3A_389 : vector<1x1024xi32>
    %and3A_391 = arith.andi %eq3A_387, %eq3A_390 : vector<1x1024xi1>
    %jit3A_392 = arith.constant 0.000000e+00 : f32
    %broadcast_in_dim3A_393 = vector.broadcast %jit3A_392 : f32 to vector<1x1024xf32>
    %select_n3A_394 = arith.select %and3A_391, %broadcast_in_dim3A_393, %select_n3A_295 : vector<1x1024xi1>, vector<1x1024xf32>
    %jit3A_395 = arith.constant 1 : i32
    %broadcast_in_dim3A_396 = vector.broadcast %jit3A_395 : i32 to vector<1x1024xi32>
    %select_n3A_397 = arith.select %and3A_391, %broadcast_in_dim3A_396, %select_n3A_386 : vector<1x1024xi1>, vector<1x1024xi32>
    %eq3A_398 = arith.cmpf oeq, %select_n3A_311, %max3A_351 : vector<1x1024xf32>
    %eq3A_399 = arith.constant 0 : i32
    %eq3A_400 = vector.broadcast %eq3A_399 : i32 to vector<1x1024xi32>
    %eq3A_401 = arith.cmpi eq, %select_n3A_397, %eq3A_400 : vector<1x1024xi32>
    %and3A_402 = arith.andi %eq3A_398, %eq3A_401 : vector<1x1024xi1>
    %jit3A_403 = arith.constant 0.000000e+00 : f32
    %broadcast_in_dim3A_404 = vector.broadcast %jit3A_403 : f32 to vector<1x1024xf32>
    %select_n3A_405 = arith.select %and3A_402, %broadcast_in_dim3A_404, %select_n3A_307 : vector<1x1024xi1>, vector<1x1024xf32>
    %jit3A_406 = arith.constant 1 : i32
    %broadcast_in_dim3A_407 = vector.broadcast %jit3A_406 : i32 to vector<1x1024xi32>
    %select_n3A_408 = arith.select %and3A_402, %broadcast_in_dim3A_407, %select_n3A_397 : vector<1x1024xi1>, vector<1x1024xi32>
    %eq3A_409 = arith.cmpf oeq, %select_n3A_323, %max3A_351 : vector<1x1024xf32>
    %eq3A_410 = arith.constant 0 : i32
    %eq3A_411 = vector.broadcast %eq3A_410 : i32 to vector<1x1024xi32>
    %eq3A_412 = arith.cmpi eq, %select_n3A_408, %eq3A_411 : vector<1x1024xi32>
    %and3A_413 = arith.andi %eq3A_409, %eq3A_412 : vector<1x1024xi1>
    %jit3A_414 = arith.constant 0.000000e+00 : f32
    %broadcast_in_dim3A_415 = vector.broadcast %jit3A_414 : f32 to vector<1x1024xf32>
    %select_n3A_416 = arith.select %and3A_413, %broadcast_in_dim3A_415, %select_n3A_319 : vector<1x1024xi1>, vector<1x1024xf32>
    %jit3A_417 = arith.constant 1 : i32
    %broadcast_in_dim3A_418 = vector.broadcast %jit3A_417 : i32 to vector<1x1024xi32>
    %select_n3A_419 = arith.select %and3A_413, %broadcast_in_dim3A_418, %select_n3A_408 : vector<1x1024xi1>, vector<1x1024xi32>
    %eq3A_420 = arith.cmpf oeq, %select_n3A_335, %max3A_351 : vector<1x1024xf32>
    %eq3A_421 = arith.constant 0 : i32
    %eq3A_422 = vector.broadcast %eq3A_421 : i32 to vector<1x1024xi32>
    %eq3A_423 = arith.cmpi eq, %select_n3A_419, %eq3A_422 : vector<1x1024xi32>
    %and3A_424 = arith.andi %eq3A_420, %eq3A_423 : vector<1x1024xi1>
    %jit3A_425 = arith.constant 0.000000e+00 : f32
    %broadcast_in_dim3A_426 = vector.broadcast %jit3A_425 : f32 to vector<1x1024xf32>
    %select_n3A_427 = arith.select %and3A_424, %broadcast_in_dim3A_426, %select_n3A_331 : vector<1x1024xi1>, vector<1x1024xf32>
    %jit3A_428 = arith.constant 1 : i32
    %broadcast_in_dim3A_429 = vector.broadcast %jit3A_428 : i32 to vector<1x1024xi32>
    %select_n3A_430 = arith.select %and3A_424, %broadcast_in_dim3A_429, %select_n3A_419 : vector<1x1024xi1>, vector<1x1024xi32>
    %eq3A_431 = arith.cmpf oeq, %select_n3A_344, %max3A_351 : vector<1x1024xf32>
    %eq3A_432 = arith.constant 0 : i32
    %eq3A_433 = vector.broadcast %eq3A_432 : i32 to vector<1x1024xi32>
    %eq3A_434 = arith.cmpi eq, %select_n3A_430, %eq3A_433 : vector<1x1024xi32>
    %and3A_435 = arith.andi %eq3A_431, %eq3A_434 : vector<1x1024xi1>
    %jit3A_436 = arith.constant 0.000000e+00 : f32
    %broadcast_in_dim3A_437 = vector.broadcast %jit3A_436 : f32 to vector<1x1024xf32>
    %select_n3A_438 = arith.select %and3A_435, %broadcast_in_dim3A_437, %select_n3A_343 : vector<1x1024xi1>, vector<1x1024xf32>
    %bitcast_convert_type3A = tpu.bitcast %div3A_10 : vector<64x1024xf32> -> vector<64x1024xi32>
    %iota3A = tpu.iota {dimensions = array<i32: 0>} : vector<64x1024xi32>
    %and3A_439 = arith.constant -64 : i32
    %and3A_440 = vector.broadcast %and3A_439 : i32 to vector<64x1024xi32>
    %and3A_441 = arith.andi %bitcast_convert_type3A, %and3A_440 : vector<64x1024xi32>
    %sub3A_442 = arith.constant 63 : i32
    %sub3A_443 = vector.broadcast %sub3A_442 : i32 to vector<64x1024xi32>
    %sub3A_444 = arith.subi %sub3A_443, %iota3A : vector<64x1024xi32>
    %or3A = arith.ori %and3A_441, %sub3A_444 : vector<64x1024xi32>
    %broadcast_in_dim3A_445 = vector.shape_cast %select_n3A_361 : vector<1x1024xf32> to vector<1x1024xf32>
    %broadcast_in_dim3A_446 = vector.broadcast %broadcast_in_dim3A_445 : vector<1x1024xf32> to vector<8x1024xf32>
    %broadcast_in_dim3A_447 = vector.shape_cast %select_n3A_372 : vector<1x1024xf32> to vector<1x1024xf32>
    %broadcast_in_dim3A_448 = vector.broadcast %broadcast_in_dim3A_447 : vector<1x1024xf32> to vector<8x1024xf32>
    %broadcast_in_dim3A_449 = vector.shape_cast %select_n3A_383 : vector<1x1024xf32> to vector<1x1024xf32>
    %broadcast_in_dim3A_450 = vector.broadcast %broadcast_in_dim3A_449 : vector<1x1024xf32> to vector<8x1024xf32>
    %broadcast_in_dim3A_451 = vector.shape_cast %select_n3A_394 : vector<1x1024xf32> to vector<1x1024xf32>
    %broadcast_in_dim3A_452 = vector.broadcast %broadcast_in_dim3A_451 : vector<1x1024xf32> to vector<8x1024xf32>
    %broadcast_in_dim3A_453 = vector.shape_cast %select_n3A_405 : vector<1x1024xf32> to vector<1x1024xf32>
    %broadcast_in_dim3A_454 = vector.broadcast %broadcast_in_dim3A_453 : vector<1x1024xf32> to vector<8x1024xf32>
    %broadcast_in_dim3A_455 = vector.shape_cast %select_n3A_416 : vector<1x1024xf32> to vector<1x1024xf32>
    %broadcast_in_dim3A_456 = vector.broadcast %broadcast_in_dim3A_455 : vector<1x1024xf32> to vector<8x1024xf32>
    %broadcast_in_dim3A_457 = vector.shape_cast %select_n3A_427 : vector<1x1024xf32> to vector<1x1024xf32>
    %broadcast_in_dim3A_458 = vector.broadcast %broadcast_in_dim3A_457 : vector<1x1024xf32> to vector<8x1024xf32>
    %broadcast_in_dim3A_459 = vector.shape_cast %select_n3A_438 : vector<1x1024xf32> to vector<1x1024xf32>
    %broadcast_in_dim3A_460 = vector.broadcast %broadcast_in_dim3A_459 : vector<1x1024xf32> to vector<8x1024xf32>
    %concatenate3A = tpu.concatenate %broadcast_in_dim3A_446, %broadcast_in_dim3A_448, %broadcast_in_dim3A_450, %broadcast_in_dim3A_452, %broadcast_in_dim3A_454, %broadcast_in_dim3A_456, %broadcast_in_dim3A_458, %broadcast_in_dim3A_460 in 0 : vector<8x1024xf32>, vector<8x1024xf32>, vector<8x1024xf32>, vector<8x1024xf32>, vector<8x1024xf32>, vector<8x1024xf32>, vector<8x1024xf32>, vector<8x1024xf32> -> vector<64x1024xf32>
    %bitcast_convert_type3A_461 = tpu.bitcast %or3A : vector<64x1024xi32> -> vector<64x1024xf32>
    %add3A = arith.addf %bitcast_convert_type3A_461, %concatenate3A : vector<64x1024xf32>
    %swap3A = arith.constant 0 : index
    %swap3A_462 = arith.constant 0 : index
    %swap3A_463 = vector.load %arg3[%swap3A, %swap3A_462] : memref<64x1024xf32, #tpu.memory_space<vmem>>, vector<64x1024xf32>
    tpu.vector_store %arg3[%swap3A, %swap3A_462], %add3A {strides = array<i32>} : memref<64x1024xf32, #tpu.memory_space<vmem>>, vector<64x1024xf32>,
    return
  }
  func.func @transform_0(%arg0: i32) -> (i32, i32) {
    %c0_i32 = arith.constant 0 : i32
    %c0_i32_0 = arith.constant 0 : i32
    %c0_i32_1 = arith.constant 0 : i32
    return %c0_i32, %c0_i32_0 : i32, i32
  }
  func.func @transform_1(%arg0: i32) -> (i32, i32) {
    %c0_i32 = arith.constant 0 : i32
    %c0_i32_0 = arith.constant 0 : i32
    return %arg0, %c0_i32 : i32, i32
  }
  func.func @transform_2(%arg0: i32) -> (i32, i32) {
    %c0_i32 = arith.constant 0 : i32
    %c0_i32_0 = arith.constant 0 : i32
    return %c0_i32, %arg0 : i32, i32
  }
}

</mosaic_0001>

<sc_bundles>
// kernel: kernel.4.cloned.1.call-start
scs
__scs_entry_jumppad:
0x0: {  	(pc) =	sbr.rel $0x88, $3  }
0x1: {  	(tag) =	ssettag $0x0;
	lr =	simm.s32 $0x1  }
0x2: {  	[smem:$0x3F9F] =	sst lr;
	_ =	strace $0xD0000000  }
0x3: {  	_ = 	snop  }
0x4: {  	_ = 	snop  }
0x5: {  	_ = 	snop  }
0x6: {  	_ = 	snop  }
0x7: {  	_ = 	snop  }
__scs_overlays_trampoline_lowered:
0x8: {  	[smem:$0x3FAE] =	sst s0  }
0x9: {  	[smem:$0x3FAF] =	sst s1  }
0xa: {  	[smem:$0x3FB0] =	sst s2  }
0xb: {  	[smem:$0x3FB1] =	sst s3  }
0xc: {  	[smem:$0x3FB2] =	sst s4  }
0xd: {  	[smem:$0x3FB3] =	sst s5  }
0xe: {  	[smem:$0x3FB4] =	sst s6  }
0xf: {  	[smem:$0x3FB5] =	sst s7  }
0x10: {  	[smem:$0x3FB6] =	sst s8  }
0x11: {  	[smem:$0x3FB7] =	sst s9;
	s0 =	simm.s32 @!p0 $0x0  }
0x12: {  	s1 =	sld [smem:$0x3F9D];
	s0 =	simm.s32 @p0 $0x1  }
0x13: {  	[smem:$0x3FB8] =	sst s0;
	s0 =	simm.s32 @!p1 $0x0  }
0x14: {  	s2 =	sld [smem:$0x3F9C];
	s0 =	simm.s32 @p1 $0x1  }
0x15: {  	[smem:$0x3FB9] =	sst s0;
	s0 =	simm.s32 @!p2 $0x0  }
0x16: {  	s3 =	sld [smem:$0x3FDB];
	s0 =	simm.s32 @p2 $0x1  }
0x17: {  	s4 =	simm.s32 $0x1BF5;
	[smem:$0x3FBB] =	sst s0  }
0x18: {  	s0 =	sld [smem:$0x3F9E];
	_ =	swait.ge [sflag:s4], $0x0  }
0x19: {  	s7 =	sld [smem:$0x3F9F]  }
0x1a: {  	s8 =	sadd.s32 $0xFFFFE003, lr  }
0x1b: {  	s9 =	sadd.s32 $0xFFFFFEF7, lr;
	s5 =	simm.s32 $0xFFFFFFFF;
	p2 =	slt.u32 s8, $0xFFFFF086  }
0x1c: {  	p1 =	slt.u32 s9, $0xF7A;
	s5 =	simm.s32 @!p2 $0x0  }
0x1d: {  	s5 =	simm.s32 @p1 $0x1;
	p0 =	seq.s32 s7, s2  }
0x1e: {  	s7 =	smul.u32 @!p0 $0xF7A, s2;
	p2 =	seq.s32 @!p0 s5, $0x0  }
0x1f: {  	s9 =	smul.u32 $0xF7A, s1;
	s8 =	simm.s32 @!p0 $0x1BF5;
	p2 =	por !p2, p0  }
0x20: {  	[sflag:s8] =	ssyncset.s32 @!p0 $0xFFFFF086;
	s6 =	sadd.s32 @!p0 s3, s7;
	s7 =	simm.s32 @!p0 $0x108  }
0x21: {  	s3 =	sadd.s32 s3, s9;
	s6 =	sadd.s32 @!p0 $0x88, s6;
	s7 =	simm.s32 @p2 $0x1082  }
0x22: {  	[simem:s7], [sflag:s8] =	dma.local @!p0 [hbm:s6], $0xF7A  }
0x23: {  	s9 =	sor.u32 $0xD0000000, s2;
	s6 =	simm.s32 $0x108;
	_ =	swait.ge @!p0 [sflag:s8], $0x0  }
0x24: {  	s3 =	sadd.s32 $0x88, s3;
	s6 =	simm.s32 @!p1 $0x1082;
	[sflag:s4] =	ssyncset.s32 $0xFFFFF086  }
0x25: {  	[simem:s6], [sflag:s4] =	dma.local [hbm:s3], $0xF7A  }
0x26: {  	[smem:$0x3F9F] =	sst s1;
	(tag) =	ssettag s2;
	_ =	strace s9  }
0x27: {  	s1 =	sld [smem:$0x3FAF]  }
0x28: {  	s2 =	sld [smem:$0x3FB0]  }
0x29: {  	s4 =	sld [smem:$0x3FB2]  }
0x2a: {  	p0 =	seq.s32 s5, $0x0;
	s5 =	sld [smem:$0x3FB3]  }
0x2b: {  	s6 =	sld [smem:$0x3FB4]  }
0x2c: {  	s7 =	sld [smem:$0x3FB5]  }
0x2d: {  	s3 =	simm.s32 $0x108;
	s8 =	sld [smem:$0x3FB6]  }
0x2e: {  	s3 =	simm.s32 @!p0 $0x1082;
	s9 =	sld [smem:$0x3FB7]  }
0x2f: {  	lr =	sadd.s32 s0, s3;
	s0 =	sld [smem:$0x3FAE]  }
0x30: {  	s3 =	sld [smem:$0x3FB1]  }
0x31: {  	[smem:$0x3FBA] =	sst s10  }
0x32: {  	s10 =	sld [smem:$0x3FB8];
	_ =	sdelay $0x3  }
0x33: {  	p0 =	seq.s32 s10, $0x1;
	s10 =	sld [smem:$0x3FBA];
	_ =	sdelay $0x3  }
0x34: {  	[smem:$0x3FBA] =	sst s10  }
0x35: {  	s10 =	sld [smem:$0x3FB9];
	_ =	sdelay $0x3  }
0x36: {  	p1 =	seq.s32 s10, $0x1;
	s10 =	sld [smem:$0x3FBA];
	_ =	sdelay $0x3  }
0x37: {  	[smem:$0x3FBA] =	sst s10  }
0x38: {  	s10 =	sld [smem:$0x3FBB]  }
0x39: {  	_ = 	snop;
	(pc) =	sbr.ind lr, $3  }
0x3a: {  	_ = 	snop  }
0x3b: {  	_ = 	snop  }
0x3c: {  	p2 =	seq.s32 s10, $0x1;
	s10 =	sld [smem:$0x3FBA]  }
0x3d: {  	_ =	shalt  }
0x3e: {  	_ =	shalt  }
0x3f: {  	_ =	shalt  }
0x40: {  	_ =	shalt  }
0x41: {  	_ =	shalt  }
0x42: {  	_ =	shalt  }
0x43: {  	_ =	shalt  }
0x44: {  	_ =	shalt  }
0x45: {  	_ =	shalt  }
0x46: {  	_ =	shalt  }
0x47: {  	_ =	shalt  }
0x48: {  	_ =	shalt  }
0x49: {  	_ =	shalt  }
0x4a: {  	_ =	shalt  }
0x4b: {  	_ =	shalt  }
0x4c: {  	_ =	shalt  }
0x4d: {  	_ =	shalt  }
0x4e: {  	_ =	shalt  }
0x4f: {  	_ =	shalt  }
0x50: {  	_ =	shalt  }
0x51: {  	_ =	shalt  }
0x52: {  	_ =	shalt  }
0x53: {  	_ =	shalt  }
0x54: {  	_ =	shalt  }
0x55: {  	_ =	shalt  }
0x56: {  	_ =	shalt  }
0x57: {  	_ =	shalt  }
0x58: {  	_ =	shalt  }
0x59: {  	_ =	shalt  }
0x5a: {  	_ =	shalt  }
0x5b: {  	_ =	shalt  }
0x5c: {  	_ =	shalt  }
0x5d: {  	_ =	shalt  }
0x5e: {  	_ =	shalt  }
0x5f: {  	_ =	shalt  }
0x60: {  	_ =	shalt  }
0x61: {  	_ =	shalt  }
0x62: {  	_ =	shalt  }
0x63: {  	_ =	shalt  }
0x64: {  	_ =	shalt  }
0x65: {  	_ =	shalt  }
0x66: {  	_ =	shalt  }
0x67: {  	_ =	shalt  }
0x68: {  	_ =	shalt  }
0x69: {  	_ =	shalt  }
0x6a: {  	_ =	shalt  }
0x6b: {  	_ =	shalt  }
0x6c: {  	_ =	shalt  }
0x6d: {  	_ =	shalt  }
0x6e: {  	_ =	shalt  }
0x6f: {  	_ =	shalt  }
0x70: {  	_ =	shalt  }
0x71: {  	_ =	shalt  }
0x72: {  	_ =	shalt  }
0x73: {  	_ =	shalt  }
0x74: {  	_ =	shalt  }
0x75: {  	_ =	shalt  }
0x76: {  	_ =	shalt  }
0x77: {  	_ =	shalt  }
0x78: {  	_ =	shalt  }
0x79: {  	_ =	shalt  }
0x7a: {  	_ =	shalt  }
0x7b: {  	_ =	shalt  }
0x7c: {  	_ =	shalt  }
0x7d: {  	_ =	shalt  }
0x7e: {  	_ =	shalt  }
0x7f: {  	_ =	shalt  }
0x80: {  	_ =	shalt  }
0x81: {  	_ =	shalt  }
0x82: {  	_ =	shalt  }
0x83: {  	_ =	shalt  }
0x84: {  	_ =	shalt  }
0x85: {  	_ =	shalt  }
0x86: {  	_ =	shalt  }
0x87: {  	_ =	shalt  }
.Lfunc_end0:
.L_simem_size_0:
called_computation_lowered:
.L_overlay_start_0:
0x88: {  	s2 =	sld [smem:$0x3FD9]  }
0x89: {  	s3 =	sld [smem:$0x3FFE];
	_ =	sdelay $0x1  }
0x8a: {  	s1 =	srdreg.scid  }
0x8b: {  	s0 =	sand.u32 $0x1, s1  }
0x8c: {  	s14 =	sshll.u32 s0, $0xA;
	s2 =	sadd.s32 s3, s2  }
0x8d: {  	s2 =	sadd.s32 s2, s14  }
0x8e: {  	[smem:$0x3FC6] =	sst s2  }
0x8f: {  	_ = 	snop  }
0x90: {  	s2 =	sld [smem:$0x3FD0];
	_ =	sdelay $0x2  }
0x91: {  	s15 =	simm.s32 $0xA;
	s4 =	simm.s32 $0x10  }
0x92: {  	[smem:s4], [sflag:s15] =	dma.local [hbm:s2], $0x1  }
0x93: {  	_ =	swait.eq [sflag:s15], $0x1  }
0x94: {  	[sflag:s15] =	ssyncset.done $0x0  }
0x95: {  	s16 =	sld [smem:$0x10];
	[sflag:s15] =	ssyncadd.s32 $0xFFFFFFFF  }
0x96: {  	s17 =	sld [smem:$0x11];
	(tm) =	ssettm $0x1  }
0x97: {  	s18 =	sld [smem:$0x3FFB];
	_ =	sdelay $0x3  }
0x98: {  	_ =	strace s18  }
0x99: {  	s4 =	sld [smem:$0x3FFC];
	_ =	sdelay $0x3  }
0x9a: {  	_ =	strace s4  }
0x9b: {  	s4 =	sld [smem:$0x3FFD];
	_ =	sdelay $0x3  }
0x9c: {  	_ =	strace s4  }
0x9d: {  	_ =	strace $0x8FFFFFFF  }
0x9e: {  	s19 =	sld [smem:$0x3FDB];
	_ =	sdelay $0x1  }
0x9f: {  	s5 =	simm.s32 $_scs_section_size  }
0xa0: {  	s6 =	simm.s32 $_size__tile_overlayer_lowered;
	s7 =	simm.s32 $_tile_overlayer_lowered  }
0xa1: {  	s22 =	simm.s32 $0x1BFF;
	s21 =	sshll.u32 s7, $0x1;
	s4 =	sadd.s32 s5, s19  }
0xa2: {  	s8 =	simm.s32 $0x0;
	s20 =	sshll.u32 s6, $0x1;
	s6 =	sadd.s32 s21, s4  }
0xa3: {  	[timem:s8], [sflag:s22] =	dma.local [hbm:s6], s20  }
0xa4: {  	_ =	swait.ge [sflag:s22], s20  }
0xa5: {  	s5 =	ssub.s32 $0x0, s20;
	[sflag:s22] =	ssyncset.done $0x0  }
0xa6: {  	[sflag:s22] =	ssyncadd.s32 s5;
	_ =	sdelay $0x1  }
0xa7: {  	s23 =	simm.s32 $0x1B8B  }
0xa8: {  	_ =	swait.ge [sflag:s23], $0x1  }
0xa9: {  	[sflag:s23] =	ssyncset.done $0x0  }
0xaa: {  	s25 =	simm.s32 $0x1B8E;
	s24 =	sld [smem:$0x3FFE];
	[sflag:s23] =	ssyncadd.s32 $0xFFFFFFFF  }
0xab: {  	s26 =	simm.s32 $execute0_lowered;
	[smem:$0x3FD2] =	sst s25  }
0xac: {  	s6 =	sshll.u32 s26, $0x1;
	_ =	strace $0x80000046;
	[dreg:$0x1] =	wrdreg $0xFFFFFFFF  }
0xad: {  	s28 =	simm.s32 $_size_execute0_lowered;
	s4 =	sadd.s32 s4, s6;
	[dreg:$0x0] =	wrdreg $0x0  }
0xae: {  	s6 =	sshll.u32 s28, $0x1;
	[dreg:$0x2] =	wrdreg s4  }
0xaf: {  	[dreg:$0x3] =	wrdreg s6  }
0xb0: {  	[dreg:$0x4] =	wrdreg $0xC0  }
0xb1: {  	_ =	task [dreg:s8], $0x5FFFF  }
0xb2: {  	[dreg:$0x1] =	wrdreg $0xFFFFFFFF  }
0xb3: {  	[dreg:$0x0] =	wrdreg $0x60  }
0xb4: {  	[dreg:$0x2] =	wrdreg s24  }
0xb5: {  	[dreg:$0x3] =	wrdreg s16  }
0xb6: {  	[dreg:$0x4] =	wrdreg s17  }
0xb7: {  	[dreg:$0x5] =	wrdreg $0x9  }
0xb8: {  	_ =	task.clear_ibuf [dreg:s8], $0x6FFFF;
	_ =	strace $0x90000046  }
0xb9: {  	s29 =	simm.s32 $0x9;
	_ =	strace $0x80000048  }
0xba: {  	_ =	swait.ge [sflag:s29], $0x1  }
0xbb: {  	[sflag:s29] =	ssyncadd.s32 $0xFFFFFFFF  }
0xbc: {  	_ =	strace $0x90000048  }
0xbd: {  	_ =	sfence  }
0xbe: {  	s30 =	sld [smem:$0x0];
	_ =	sdelay $0x2  }
0xbf: {  	s31 =	sshll.u32 s1, $0xD;
	s1 =	sshrl.u32 s1, $0x2  }
0xc0: {  	s3 =	sand.u32 $0x4000, s31;
	s1 =	sadd.s32 s1, s30  }
0xc1: {  	s0 =	sor.u32 s3, s0;
	s1 =	sshll.u32 s1, $0x11  }
0xc2: {  	s0 =	sor.u32 s1, s0  }
0xc3: {  	s0 =	sadd.s32 $0x8F2B, s0  }
0xc4: {  	[sflag:s0] =	ssyncadd.remote.s32 $0x1  }
0xc5: {  	_ =	sfence.sel $0xFFFF  }
0xc6: {  	[dreg:$0x0] =	wrdreg $0xFFFFFFFF;
	(pc) =	sbr.abs _section_cstart, $3  }
0xc7: {  	[dreg:$0x1] =	wrdreg $0xFFFFFFFF  }
0xc8: {  	_ =	task.clear_ibuf [dreg:s8], $0x2FFFF;
	_ =	strace $0x9FFFFFFF  }
0xc9: {  	(tm) =	ssettm $0x7FFFFFFF  }
tec
execute0_lowered:
.L_overlay_start_1:
0x0: {  	(tag) =	ssettag $0x1  }
0x1: {  	s0 =	rddreg [dreg:$0x0]  }
0x2: {  	s1 =	rddreg [dreg:$0x1]  }
0x3: {  	s2 =	srdreg.scid;
	s6 =	rddreg [dreg:$0x2]  }
0x4: {  	s4 =	stileid.u32;
	s22 =	simm.s32 $0x2;
	s15 =	simm.s32 $0x1  }
0x5: {  	s16 =	simm.s32 $0x4000;
	s17 =	simm.s32 $0x4800;
	s18 =	simm.s32 $0x0  }
0x6: {  	s3 =	sand.u32 $0x1, s2;
	s4 =	sshll.u32 s4, $0x9;
	s2 =	simm.s32 $0x0  }
0x7: {  	s5 =	sshll.u32 s3, $0x8;
	s3 =	ssub.s32 $0x2, s3;
	[smem:$0x7FF] =	sst s2  }
0x8: {  	s7 =	sor.u32 s5, s4;
	s31 =	sshrl.u32 s3, $0x1;
	_ =	strace $0x80000047  }
0x9: {  	s0 =	sadd.s32 s7, s0;
	s8 =	ssub.s32 s3, s31;
	s5 =	sadd.s32 s1, s7  }
0xa: {  	s6 =	sadd.s32 s6, s7;
	s1 =	simm.s32 $0x3C00;
	s3 =	sadd.s32 $0xC00, s0  }
0xb: {  	s4 =	sadd.s32 $0xC80, s0;
	s7 =	smax.u32 s8, $0x1;
	s8 =	sadd.s32 $0x2C00, s0  }
0xc: {  	s9 =	sadd.s32 $0x4C00, s0;
	s10 =	sadd.s32 $0x6C00, s0;
	s11 =	sadd.s32 $0x8C00, s0  }
0xd: {  	s12 =	sadd.s32 $0xAC00, s0;
	s13 =	sadd.s32 $0xCC00, s0;
	s14 =	sadd.s32 $0xEC00, s0  }
0xe: {  	s0 =	simm.s32 $0x3400;
	s24 =	sadd.s32 $0x2000, s4;
	s26 =	sadd.s32 $0x4000, s4  }
.LBB2_1:
0xf: {  	[tilespmem:s2], [sflag:$0x2] =	stream.linear.gather [hbm4b:s3+s2], $0x400, $0x38;
	[tilespmem:$0x5000] =	vst v63  }
0x10: {  	s19 =	simm.s32 $0x800  }
0x11: {  	[tilespmem:s19], [sflag:$0x2] =	stream.linear.gather [hbm4b:s8+s2], $0x400, $0x38;
	[tilespmem:$0x5000] =	vst v63  }
0x12: {  	s20 =	simm.s32 $0x1000  }
0x13: {  	[tilespmem:s20], [sflag:$0x2] =	stream.linear.gather [hbm4b:s9+s2], $0x400, $0x38;
	[tilespmem:$0x5000] =	vst v63  }
0x14: {  	s21 =	simm.s32 $0x1800  }
0x15: {  	[tilespmem:s21], [sflag:$0x2] =	stream.linear.gather [hbm4b:s10+s2], $0x400, $0x38;
	[tilespmem:$0x5000] =	vst v63  }
0x16: {  	s23 =	simm.s32 $0x2000  }
0x17: {  	[tilespmem:s23], [sflag:$0x2] =	stream.linear.gather [hbm4b:s11+s2], $0x400, $0x38;
	[tilespmem:$0x5000] =	vst v63  }
0x18: {  	s25 =	simm.s32 $0x2800  }
0x19: {  	[tilespmem:s25], [sflag:$0x2] =	stream.linear.gather [hbm4b:s12+s2], $0x400, $0x38;
	[tilespmem:$0x5000] =	vst v63  }
0x1a: {  	s28 =	simm.s32 $0x3000  }
0x1b: {  	[tilespmem:s28], [sflag:$0x2] =	stream.linear.gather [hbm4b:s13+s2], $0x400, $0x38;
	[tilespmem:$0x5000] =	vst v63  }
0x1c: {  	s29 =	simm.s32 $0x3800  }
0x1d: {  	[tilespmem:s29], [sflag:$0x2] =	stream.linear.gather [hbm4b:s14+s2], $0x400, $0x38;
	[tilespmem:$0x5000] =	vst v63  }
0x1e: {  	_ =	swait.ge [sflag:s22], $0x2000  }
0x1f: {  	[sflag:s22] =	ssyncset.done $0x0  }
0x20: {  	s30 =	simm.s32 $0x400;
	[sflag:s22] =	ssyncadd.s32 $0xFFFFE000  }
0x21: {  	[tilespmem:s30], [sflag:$0x1] =	stream.linear.gather [hbm4b:s4+s2], $0x400, $0x38;
	[tilespmem:$0x5000] =	vst v63  }
0x22: {  	s31 =	simm.s32 $0xC00  }
0x23: {  	[tilespmem:s31], [sflag:$0x1] =	stream.linear.gather [hbm4b:s24+s2], $0x400, $0x38;
	[tilespmem:$0x5000] =	vst v63  }
0x24: {  	s20 =	simm.s32 $0x1400  }
0x25: {  	[tilespmem:s20], [sflag:$0x1] =	stream.linear.gather [hbm4b:s26+s2], $0x400, $0x38;
	[tilespmem:$0x5000] =	vst v63  }
0x26: {  	s21 =	sadd.s32 $0x6000, s4;
	s20 =	simm.s32 $0x1C00  }
0x27: {  	[tilespmem:s20], [sflag:$0x1] =	stream.linear.gather [hbm4b:s21+s2], $0x400, $0x38;
	[tilespmem:$0x5000] =	vst v63  }
0x28: {  	s23 =	sadd.s32 $0x8000, s4;
	s25 =	simm.s32 $0x2400  }
0x29: {  	[tilespmem:s25], [sflag:$0x1] =	stream.linear.gather [hbm4b:s23+s2], $0x400, $0x38;
	[tilespmem:$0x5000] =	vst v63  }
0x2a: {  	s28 =	sadd.s32 $0xA000, s4;
	s29 =	simm.s32 $0x2C00  }
0x2b: {  	[tilespmem:s29], [sflag:$0x1] =	stream.linear.gather [hbm4b:s28+s2], $0x400, $0x38;
	[tilespmem:$0x5000] =	vst v63  }
0x2c: {  	s30 =	sadd.s32 $0xC000, s4  }
0x2d: {  	[tilespmem:s0], [sflag:$0x1] =	stream.linear.gather [hbm4b:s30+s2], $0x400, $0x38;
	[tilespmem:$0x5000] =	vst v63  }
0x2e: {  	s19 =	simm.s32 $0x200;
	s31 =	sadd.s32 $0xE000, s4;
	s20 =	simm.s32 $0x0  }
0x2f: {  	[tilespmem:s1], [sflag:$0x1] =	stream.linear.gather [hbm4b:s31+s2], $0x400, $0x38;
	[tilespmem:$0x5000] =	vst v63  }
.LBB2_2:
0x30: {  	v0 =	vmov s19;
	_ =	sdelay $0x3  }
0x31: {  	s21 =	simm.s32 $0x0  }
0x32: {  	v1 =	vld.idx.msk [tilespmem:v0+s21+$0xFFFFFE00 ss:$0x1], $0xffff  }
0x33: {  	v3 =	vld.idx.msk [tilespmem:v0+s21+$0xFFFFFE80 ss:$0x1], $0xffff;
	_ =	sdelay $0x1  }
0x34: {  	v5 =	vld.idx.msk [tilespmem:v0+s21+$0xFFFFFF00 ss:$0x1], $0xffff  }
0x35: {  	v2 =	vimm.f32 $-Inf;
	v6 =	vld.idx.msk [tilespmem:v0+s21+$0xFFFFFF80 ss:$0x1], $0xffff  }
0x36: {  	v4 =	vmin.f32 v2, v1;
	v1 =	vmax.f32 v2, v1  }
0x37: {  	v4 =	vmax.f32 v2, v4;
	v7 =	vmin.f32 v1, v3  }
0x38: {  	v2 =	vld.idx.msk [tilespmem:v0+s21+$0x0 ss:$0x1], $0xffff;
	v1 =	vmax.f32 v1, v3;
	v8 =	vmin.f32 v4, v3;
	v7 =	vmax.f32 v4, v7  }
0x39: {  	v10 =	vmax.f32 v1, v5;
	v3 =	vmax.f32 v4, v8;
	v8 =	vmin.f32 v7, v5;
	v4 =	vld.idx.msk [tilespmem:v0+s21+$0x80 ss:$0x1], $0xffff  }
0x3a: {  	v11 =	vmin.f32 v10, v6;
	v9 =	vmin.f32 v3, v5;
	v5 =	vmin.f32 v1, v5  }
0x3b: {  	v10 =	vmax.f32 v10, v6;
	v8 =	vmax.f32 v3, v8;
	v1 =	vld.idx.msk [tilespmem:v0+s21+$0x100 ss:$0x1], $0xffff;
	v5 =	vmax.f32 v7, v5  }
0x3c: {  	v12 =	vmin.f32 v8, v6;
	v13 =	vmin.f32 v5, v6;
	v5 =	vmax.f32 v5, v11  }
0x3d: {  	v11 =	vmax.f32 v8, v13;
	v8 =	vmax.f32 v3, v9;
	v9 =	vmax.f32 v10, v2  }
0x3e: {  	v7 =	vmin.f32 v10, v2;
	v10 =	vmax.f32 v9, v4  }
0x3f: {  	v12 =	vmax.f32 v8, v12;
	v13 =	vmin.f32 v11, v2;
	v6 =	vmin.f32 v8, v6  }
0x40: {  	v9 =	vmin.f32 v9, v4;
	v15 =	vmin.f32 v10, v1;
	v17 =	vmax.f32 v12, v13  }
0x41: {  	v3 =	vld.idx.msk [tilespmem:v0+s21+$0x180 ss:$0x1], $0xffff;
	v8 =	vmax.f32 v8, v6;
	v6 =	vmax.f32 v5, v7;
	v5 =	vmin.f32 v5, v2  }
0x42: {  	v12 =	vmin.f32 v12, v2;
	v7 =	vmax.f32 v10, v1;
	v16 =	vmin.f32 v6, v4  }
0x43: {  	v10 =	vmin.f32 v8, v2;
	v14 =	vmax.f32 v6, v9;
	v5 =	vmax.f32 v11, v5  }
0x44: {  	v11 =	vmax.f32 v8, v12;
	v12 =	vmin.f32 v17, v4;
	v13 =	vmax.f32 v14, v15  }
0x45: {  	v9 =	vmin.f32 v5, v4;
	v10 =	vmax.f32 v8, v10;
	v18 =	vmin.f32 v11, v4  }
0x46: {  	v15 =	vmax.f32 v11, v12;
	v16 =	vmax.f32 v5, v16;
	v6 =	vmin.f32 v7, v3  }
0x47: {  	v5 =	vmax.f32 v10, v18;
	v17 =	vmax.f32 v17, v9;
	v9 =	vmin.f32 v10, v4  }
0x48: {  	s23 =	simm.s32 $0x2000;
	s21 =	sshll.u32 s20, $0x4;
	v11 =	vmin.f32 v15, v1;
	v6 =	vmax.f32 v13, v6;
	v12 =	vmovc v8;
	v10 =	vmov v8  }
.LBB2_3:
0x49: {  	s25 =	sshra.s32 s23, $0x2;
	p0 =	sne.s32 s23, $0xE000;
	s23 =	sadd.s32 $0x2000, s23;
	v18 =	vmin.f32 v17, v1;
	v19 =	vmin.f32 v16, v1;
	v14 =	vmin.f32 v14, v1  }
0x4a: {  	v13 =	vmin.f32 v13, v3;
	v20 =	vld.idx.msk [tilespmem:v0+s25+$0xFFFFFE00 ss:$0x1], $0xffff;
	v17 =	vmax.f32 v17, v19;
	v14 =	vmax.f32 v16, v14  }
0x4b: {  	v15 =	vmax.f32 v15, v18;
	v16 =	vld.idx.msk [tilespmem:v0+s25+$0xFFFFFE80 ss:$0x1], $0xffff;
	v18 =	vmin.f32 v14, v3;
	v13 =	vmax.f32 v14, v13  }
0x4c: {  	v8 =	vmin.f32 v8, v2;
	v14 =	vmin.f32 v17, v3;
	v17 =	vmax.f32 v17, v18  }
0x4d: {  	v2 =	vmin.f32 v10, v2;
	v8 =	vmax.f32 v10, v8;
	v10 =	vmax.f32 v15, v14;
	v18 =	vld.idx.msk [tilespmem:v0+s25+$0xFFFFFF00 ss:$0x1], $0xffff  }
0x4e: {  	v7 =	vmax.f32 v7, v3;
	v2 =	vmax.f32 v12, v2;
	v4 =	vmin.f32 v8, v4  }
0x4f: {  	v8 =	vmax.f32 v8, v9;
	v9 =	vmax.f32 v5, v11;
	v11 =	vmin.f32 v15, v3  }
0x50: {  	v11 =	vmax.f32 v9, v11;
	v12 =	vmin.f32 v7, v20;
	v7 =	vmax.f32 v7, v20;
	v19 =	vld.idx.msk [tilespmem:v0+s25+$0xFFFFFF80 ss:$0x1], $0xffff  }
0x51: {  	v9 =	vmin.f32 v9, v3;
	v12 =	vmax.f32 v6, v12;
	v14 =	vmin.f32 v7, v16  }
0x52: {  	v15 =	vmin.f32 v12, v16;
	v12 =	vmax.f32 v12, v14;
	v14 =	vmin.f32 v8, v1  }
0x53: {  	v4 =	vmax.f32 v2, v4;
	v7 =	vmax.f32 v7, v16;
	v21 =	vmin.f32 v12, v18  }
0x54: {  	v22 =	vmin.f32 v17, v20;
	v6 =	vmin.f32 v6, v20;
	v1 =	vmin.f32 v5, v1;
	v2 =	vld.idx.msk [tilespmem:v0+s25+$0x0 ss:$0x1], $0xffff  }
0x55: {  	v5 =	vmax.f32 v10, v22;
	v6 =	vmax.f32 v13, v6;
	v4 =	vmax.f32 v4, v14  }
0x56: {  	v14 =	vmin.f32 v6, v16;
	v6 =	vmax.f32 v6, v15;
	v1 =	vmax.f32 v8, v1  }
0x57: {  	v8 =	vmin.f32 v10, v20;
	v10 =	vmin.f32 v6, v18;
	v3 =	vmin.f32 v1, v3  }
0x58: {  	v15 =	vmin.f32 v11, v20;
	v22 =	vmin.f32 v5, v16;
	v23 =	vmin.f32 v7, v18  }
0x59: {  	v13 =	vmin.f32 v13, v20;
	v7 =	vmax.f32 v7, v18;
	v6 =	vmax.f32 v6, v21  }
0x5a: {  	v8 =	vmax.f32 v11, v8;
	v3 =	vmax.f32 v4, v3;
	v11 =	vmin.f32 v7, v19  }
0x5b: {  	v9 =	vmax.f32 v1, v9;
	v4 =	vmax.f32 v17, v13;
	v13 =	vmin.f32 v6, v19  }
0x5c: {  	v1 =	vmin.f32 v4, v16;
	v14 =	vmax.f32 v4, v14;
	v7 =	vmax.f32 v7, v19  }
0x5d: {  	v5 =	vmax.f32 v5, v1;
	v1 =	vmax.f32 v12, v23;
	v12 =	vmin.f32 v7, v2;
	v4 =	vld.idx.msk [tilespmem:v0+s25+$0x80 ss:$0x1], $0xffff  }
0x5e: {  	v17 =	vmin.f32 v8, v16;
	v21 =	vmin.f32 v1, v19;
	v11 =	vmax.f32 v1, v11;
	v1 =	vld.idx.msk [tilespmem:v0+s25+$0x100 ss:$0x1], $0xffff  }
0x5f: {  	v20 =	vmin.f32 v9, v20;
	v23 =	vmin.f32 v14, v18;
	v6 =	vmax.f32 v6, v21  }
0x60: {  	v9 =	vmax.f32 v9, v15;
	v8 =	vmax.f32 v8, v22;
	v10 =	vmax.f32 v14, v10  }
0x61: {  	v3 =	vmax.f32 v3, v20;
	v14 =	vmin.f32 v9, v16;
	v9 =	vmax.f32 v9, v17  }
0x62: {  	v14 =	vmax.f32 v3, v14;
	v3 =	vmin.f32 v5, v18;
	v7 =	vmax.f32 v7, v2  }
0x63: {  	v5 =	vmax.f32 v5, v23;
	v15 =	vmax.f32 v8, v3;
	v16 =	vmax.f32 v7, v4  }
0x64: {  	v13 =	vmax.f32 v10, v13;
	v17 =	vmin.f32 v6, v2;
	v20 =	vmin.f32 v16, v1;
	v3 =	vld.idx.msk [tilespmem:v0+s25+$0x180 ss:$0x1], $0xffff  }
0x65: {  	v10 =	vmin.f32 v10, v19;
	v17 =	vmax.f32 v13, v17;
	v21 =	vmin.f32 v7, v4  }
0x66: {  	v22 =	vmax.f32 v5, v10;
	v10 =	vmin.f32 v11, v2;
	v11 =	vmax.f32 v11, v12  }
0x67: {  	v12 =	vmin.f32 v15, v19;
	v7 =	vmin.f32 v9, v18;
	v23 =	vmin.f32 v11, v4  }
0x68: {  	v25 =	vmin.f32 v13, v2;
	v24 =	vmax.f32 v14, v7;
	v7 =	vmax.f32 v16, v1  }
0x69: {  	v8 =	vmin.f32 v8, v18;
	v18 =	vmax.f32 v6, v10;
	v16 =	vmin.f32 v22, v2  }
0x6a: {  	v5 =	vmin.f32 v5, v19;
	v14 =	vmax.f32 v11, v21;
	v6 =	vmin.f32 v7, v3  }
0x6b: {  	v9 =	vmax.f32 v9, v8;
	v8 =	vmax.f32 v15, v5;
	v13 =	vmax.f32 v14, v20  }
.Ltmp0:
0x6c: {  	v10 =	vmax.f32 v9, v12;
	v11 =	vmin.f32 v18, v4;
	v6 =	vmax.f32 v13, v6;
	(pc) =	sbr.rel @p0 .LBB2_3-.Ltmp0, $4  }
0x6d: {  	v5 =	vmax.f32 v22, v25;
	v12 =	vmin.f32 v17, v4;
	v20 =	vmax.f32 v8, v16  }
0x6e: {  	v21 =	vmin.f32 v5, v4;
	v15 =	vmax.f32 v5, v12;
	v16 =	vmax.f32 v18, v23  }
0x6f: {  	v9 =	vmin.f32 v9, v19;
	v17 =	vmax.f32 v17, v11;
	v5 =	vmax.f32 v20, v21  }
0x70: {  	v12 =	vmax.f32 v24, v9;
	v9 =	vmin.f32 v20, v4;
	v11 =	vmin.f32 v15, v1  }
0x71: {  	v0 =	vmin.f32 v17, v1  }
0x72: {  	v18 =	vmin.f32 v16, v1;
	v14 =	vmin.f32 v14, v1;
	v7 =	vmax.f32 v7, v3  }
0x73: {  	v13 =	vmin.f32 v13, v3;
	v41 =	vand.u32 $0xFFFFFFC0, v6;
	v8 =	vmin.f32 v8, v2  }
0x74: {  	v43 =	vandn.u32 $0x3F, v6;
	v45 =	vmin.f32 v10, v2;
	v11 =	vmax.f32 v5, v11;
	[tilespmem:s21+$0x4080] =	vst v41  }
0x75: {  	v54 =	vmin.f32 v5, v1;
	v14 =	vmax.f32 v16, v14;
	v39 =	vand.u32 $0xFFFFFFC0, v7;
	[tilespmem:s21+$0x4880] =	vst v43  }
0x76: {  	v38 =	vmax.f32 v17, v18;
	v7 =	vandn.u32 $0x3F, v7;
	[tilespmem:s21+$0x4000] =	vst v39;
	v13 =	vmax.f32 v14, v13  }
0x77: {  	v0 =	vmax.f32 v15, v0;
	v40 =	vmin.f32 v14, v3;
	[tilespmem:s21+$0x4800] =	vst v7;
	v46 =	vand.u32 $0xFFFFFFC0, v13  }
0x78: {  	v8 =	vmax.f32 v10, v8;
	v44 =	vmax.f32 v38, v40;
	v48 =	vandn.u32 $0x3F, v13;
	[tilespmem:s21+$0x4100] =	vst v46  }
0x79: {  	v2 =	vmax.f32 v12, v45;
	v42 =	vmin.f32 v38, v3;
	[tilespmem:s21+$0x4900] =	vst v48;
	v49 =	vand.u32 $0xFFFFFFC0, v44  }
0x7a: {  	v53 =	vmin.f32 v11, v3;
	v47 =	vmax.f32 v0, v42;
	v50 =	vandn.u32 $0x3F, v44;
	[tilespmem:s21+$0x4180] =	vst v49  }
0x7b: {  	v4 =	vmin.f32 v8, v4;
	v0 =	vmin.f32 v0, v3;
	v52 =	vand.u32 $0xFFFFFFC0, v47;
	[tilespmem:s21+$0x4980] =	vst v50  }
0x7c: {  	v51 =	vmax.f32 v8, v9;
	v0 =	vmax.f32 v11, v0;
	v55 =	vandn.u32 $0x3F, v47;
	[tilespmem:s21+$0x4200] =	vst v52  }
0x7d: {  	s20 =	sadd.s32 $0x1, s20;
	v56 =	vmin.f32 v51, v1;
	v5 =	vmax.f32 v51, v54;
	[tilespmem:s21+$0x4A00] =	vst v55;
	v57 =	vand.u32 $0xFFFFFFC0, v0  }
0x7e: {  	p0 =	sne.s32 s20, $0x8;
	v2 =	vmax.f32 v2, v4;
	v58 =	vmax.f32 v5, v53;
	v0 =	vandn.u32 $0x3F, v0;
	[tilespmem:s21+$0x4280] =	vst v57  }
.Ltmp1:
0x7f: {  	v1 =	vmax.f32 v2, v56;
	v59 =	vmin.f32 v5, v3;
	v60 =	vand.u32 $0xFFFFFFC0, v58;
	[tilespmem:s21+$0x4A80] =	vst v0;
	(pc) =	sbr.rel @p0 .LBB2_2-.Ltmp1, $4  }
0x80: {  	v1 =	vmax.f32 v1, v59;
	v61 =	vandn.u32 $0x3F, v58;
	[tilespmem:s21+$0x4300] =	vst v60  }
0x81: {  	[tilespmem:s21+$0x4B00] =	vst v61;
	v62 =	vand.u32 $0xFFFFFFC0, v1  }
0x82: {  	v63 =	vandn.u32 $0x3F, v1;
	[tilespmem:s21+$0x4380] =	vst v62  }
0x83: {  	s19 =	sadd.s32 $0x10, s19;
	[tilespmem:s21+$0x4B80] =	vst v63  }
0x84: {  	_ =	swait.ge [sflag:s15], $0x2000  }
0x85: {  	s19 =	simm.s32 $0x8;
	[sflag:s15] =	ssyncset.done $0x0  }
0x86: {  	s20 =	simm.s32 $0x0;
	s21 =	simm.s32 $0x400;
	[sflag:s15] =	ssyncadd.s32 $0xFFFFE000  }
.LBB2_6:
0x87: {  	s23 =	sand.u32 $0x3FFFFC00, s21  }
0x88: {  	s23 =	sadd.s32 s23, s20  }
0x89: {  	v0 =	vmov s23;
	_ =	sdelay $0x3  }
0x8a: {  	s31 =	simm.s32 $0x0  }
0x8b: {  	v1 =	vld.idx.msk [tilespmem:v0+s31+$0x0 ss:$0x1], $0xffff  }
0x8c: {  	v3 =	vld.idx.msk [tilespmem:v0+s31+$0x80 ss:$0x1], $0xffff;
	_ =	sdelay $0x1  }
0x8d: {  	v5 =	vld.idx.msk [tilespmem:v0+s31+$0x100 ss:$0x1], $0xffff  }
0x8e: {  	v2 =	vimm.f32 $-Inf;
	v6 =	vld.idx.msk [tilespmem:v0+s31+$0x180 ss:$0x1], $0xffff  }
0x8f: {  	v4 =	vmin.f32 v2, v1;
	v1 =	vmax.f32 v2, v1  }
0x90: {  	v4 =	vmax.f32 v2, v4;
	v7 =	vmin.f32 v1, v3  }
0x91: {  	v2 =	vld.idx.msk [tilespmem:v0+s31+$0x200 ss:$0x1], $0xffff;
	v1 =	vmax.f32 v1, v3;
	v8 =	vmin.f32 v4, v3;
	v7 =	vmax.f32 v4, v7  }
0x92: {  	v10 =	vmax.f32 v1, v5;
	v3 =	vmax.f32 v4, v8;
	v8 =	vmin.f32 v7, v5;
	v4 =	vld.idx.msk [tilespmem:v0+s31+$0x280 ss:$0x1], $0xffff  }
0x93: {  	v11 =	vmin.f32 v10, v6;
	v9 =	vmin.f32 v3, v5;
	v5 =	vmin.f32 v1, v5  }
0x94: {  	v10 =	vmax.f32 v10, v6;
	v8 =	vmax.f32 v3, v8;
	v1 =	vld.idx.msk [tilespmem:v0+s31+$0x300 ss:$0x1], $0xffff;
	v5 =	vmax.f32 v7, v5  }
0x95: {  	v12 =	vmin.f32 v8, v6;
	v13 =	vmin.f32 v5, v6;
	v5 =	vmax.f32 v5, v11  }
0x96: {  	v11 =	vmax.f32 v8, v13;
	v8 =	vmax.f32 v3, v9;
	v9 =	vmax.f32 v10, v2  }
0x97: {  	v7 =	vmin.f32 v10, v2;
	v10 =	vmax.f32 v9, v4  }
0x98: {  	v12 =	vmax.f32 v8, v12;
	v13 =	vmin.f32 v11, v2;
	v6 =	vmin.f32 v8, v6  }
0x99: {  	v9 =	vmin.f32 v9, v4;
	v15 =	vmin.f32 v10, v1;
	v17 =	vmax.f32 v12, v13  }
0x9a: {  	v3 =	vld.idx.msk [tilespmem:v0+s31+$0x380 ss:$0x1], $0xffff;
	v8 =	vmax.f32 v8, v6;
	v6 =	vmax.f32 v5, v7;
	v5 =	vmin.f32 v5, v2  }
0x9b: {  	v12 =	vmin.f32 v12, v2;
	v7 =	vmax.f32 v10, v1;
	v16 =	vmin.f32 v6, v4  }
0x9c: {  	v10 =	vmin.f32 v8, v2;
	v14 =	vmax.f32 v6, v9;
	v5 =	vmax.f32 v11, v5  }
0x9d: {  	v11 =	vmax.f32 v8, v12;
	v12 =	vmin.f32 v17, v4;
	v13 =	vmax.f32 v14, v15  }
0x9e: {  	v9 =	vmin.f32 v5, v4;
	v10 =	vmax.f32 v8, v10;
	v18 =	vmin.f32 v11, v4  }
0x9f: {  	v15 =	vmax.f32 v11, v12;
	v16 =	vmax.f32 v5, v16;
	v6 =	vmin.f32 v7, v3  }
0xa0: {  	s25 =	sshll.u32 s19, $0x7;
	s23 =	sshll.u32 s19, $0x4;
	v5 =	vmax.f32 v10, v18;
	v17 =	vmax.f32 v17, v9;
	v9 =	vmin.f32 v10, v4  }
0xa1: {  	s30 =	simm.s32 $0x2000;
	s28 =	sand.u32 $0x400, s25;
	s29 =	sand.u32 $0x70, s23;
	v10 =	vmin.f32 v15, v1;
	v6 =	vmax.f32 v13, v6;
	v11 =	vmovc v8;
	v12 =	vmov v8  }
.LBB2_7:
0xa2: {  	s31 =	sshra.s32 s30, $0x2;
	p0 =	sne.s32 s30, $0xE000;
	s30 =	sadd.s32 $0x2000, s30;
	v18 =	vmin.f32 v17, v1;
	v19 =	vmin.f32 v16, v1;
	v14 =	vmin.f32 v14, v1  }
0xa3: {  	v13 =	vmin.f32 v13, v3;
	v20 =	vld.idx.msk [tilespmem:v0+s31+$0x0 ss:$0x1], $0xffff;
	v17 =	vmax.f32 v17, v19;
	v14 =	vmax.f32 v16, v14  }
0xa4: {  	v15 =	vmax.f32 v15, v18;
	v16 =	vld.idx.msk [tilespmem:v0+s31+$0x80 ss:$0x1], $0xffff;
	v18 =	vmin.f32 v14, v3;
	v13 =	vmax.f32 v14, v13  }
0xa5: {  	v8 =	vmin.f32 v8, v2;
	v14 =	vmin.f32 v17, v3;
	v17 =	vmax.f32 v17, v18  }
0xa6: {  	v2 =	vmin.f32 v11, v2;
	v8 =	vmax.f32 v11, v8;
	v11 =	vmax.f32 v15, v14;
	v18 =	vld.idx.msk [tilespmem:v0+s31+$0x100 ss:$0x1], $0xffff  }
0xa7: {  	v7 =	vmax.f32 v7, v3;
	v2 =	vmax.f32 v12, v2;
	v4 =	vmin.f32 v8, v4  }
0xa8: {  	v8 =	vmax.f32 v8, v9;
	v9 =	vmax.f32 v5, v10;
	v10 =	vmin.f32 v15, v3  }
0xa9: {  	v10 =	vmax.f32 v9, v10;
	v12 =	vmin.f32 v7, v20;
	v7 =	vmax.f32 v7, v20;
	v19 =	vld.idx.msk [tilespmem:v0+s31+$0x180 ss:$0x1], $0xffff  }
0xaa: {  	v9 =	vmin.f32 v9, v3;
	v12 =	vmax.f32 v6, v12;
	v14 =	vmin.f32 v7, v16  }
0xab: {  	v15 =	vmin.f32 v12, v16;
	v12 =	vmax.f32 v12, v14;
	v14 =	vmin.f32 v8, v1  }
0xac: {  	v4 =	vmax.f32 v2, v4;
	v7 =	vmax.f32 v7, v16;
	v21 =	vmin.f32 v12, v18  }
0xad: {  	v22 =	vmin.f32 v17, v20;
	v6 =	vmin.f32 v6, v20;
	v1 =	vmin.f32 v5, v1;
	v2 =	vld.idx.msk [tilespmem:v0+s31+$0x200 ss:$0x1], $0xffff  }
0xae: {  	v5 =	vmax.f32 v11, v22;
	v6 =	vmax.f32 v13, v6;
	v4 =	vmax.f32 v4, v14  }
0xaf: {  	v14 =	vmin.f32 v6, v16;
	v6 =	vmax.f32 v6, v15;
	v1 =	vmax.f32 v8, v1  }
0xb0: {  	v8 =	vmin.f32 v11, v20;
	v11 =	vmin.f32 v6, v18;
	v3 =	vmin.f32 v1, v3  }
0xb1: {  	v15 =	vmin.f32 v10, v20;
	v22 =	vmin.f32 v5, v16;
	v23 =	vmin.f32 v7, v18  }
0xb2: {  	v13 =	vmin.f32 v13, v20;
	v7 =	vmax.f32 v7, v18;
	v6 =	vmax.f32 v6, v21  }
0xb3: {  	v8 =	vmax.f32 v10, v8;
	v3 =	vmax.f32 v4, v3;
	v10 =	vmin.f32 v7, v19  }
0xb4: {  	v9 =	vmax.f32 v1, v9;
	v4 =	vmax.f32 v17, v13;
	v13 =	vmin.f32 v6, v19  }
0xb5: {  	v1 =	vmin.f32 v4, v16;
	v14 =	vmax.f32 v4, v14;
	v7 =	vmax.f32 v7, v19  }
0xb6: {  	v5 =	vmax.f32 v5, v1;
	v1 =	vmax.f32 v12, v23;
	v12 =	vmin.f32 v7, v2;
	v4 =	vld.idx.msk [tilespmem:v0+s31+$0x280 ss:$0x1], $0xffff  }
0xb7: {  	v17 =	vmin.f32 v8, v16;
	v21 =	vmin.f32 v1, v19;
	v10 =	vmax.f32 v1, v10;
	v1 =	vld.idx.msk [tilespmem:v0+s31+$0x300 ss:$0x1], $0xffff  }
0xb8: {  	v20 =	vmin.f32 v9, v20;
	v23 =	vmin.f32 v14, v18;
	v6 =	vmax.f32 v6, v21  }
0xb9: {  	v9 =	vmax.f32 v9, v15;
	v8 =	vmax.f32 v8, v22;
	v11 =	vmax.f32 v14, v11  }
0xba: {  	v3 =	vmax.f32 v3, v20;
	v14 =	vmin.f32 v9, v16;
	v9 =	vmax.f32 v9, v17  }
0xbb: {  	v14 =	vmax.f32 v3, v14;
	v3 =	vmin.f32 v5, v18;
	v7 =	vmax.f32 v7, v2  }
0xbc: {  	v5 =	vmax.f32 v5, v23;
	v15 =	vmax.f32 v8, v3;
	v16 =	vmax.f32 v7, v4  }
0xbd: {  	v13 =	vmax.f32 v11, v13;
	v17 =	vmin.f32 v6, v2;
	v20 =	vmin.f32 v16, v1;
	v3 =	vld.idx.msk [tilespmem:v0+s31+$0x380 ss:$0x1], $0xffff  }
0xbe: {  	v11 =	vmin.f32 v11, v19;
	v17 =	vmax.f32 v13, v17;
	v21 =	vmin.f32 v7, v4  }
0xbf: {  	v22 =	vmax.f32 v5, v11;
	v11 =	vmin.f32 v10, v2;
	v10 =	vmax.f32 v10, v12  }
0xc0: {  	v12 =	vmin.f32 v15, v19;
	v7 =	vmin.f32 v9, v18;
	v23 =	vmin.f32 v10, v4  }
0xc1: {  	v25 =	vmin.f32 v13, v2;
	v24 =	vmax.f32 v14, v7;
	v7 =	vmax.f32 v16, v1  }
0xc2: {  	v8 =	vmin.f32 v8, v18;
	v18 =	vmax.f32 v6, v11;
	v16 =	vmin.f32 v22, v2  }
0xc3: {  	v5 =	vmin.f32 v5, v19;
	v14 =	vmax.f32 v10, v21;
	v6 =	vmin.f32 v7, v3  }
0xc4: {  	v9 =	vmax.f32 v9, v8;
	v8 =	vmax.f32 v15, v5;
	v13 =	vmax.f32 v14, v20  }
.Ltmp2:
0xc5: {  	v11 =	vmax.f32 v9, v12;
	v10 =	vmin.f32 v18, v4;
	v6 =	vmax.f32 v13, v6;
	(pc) =	sbr.rel @p0 .LBB2_7-.Ltmp2, $4  }
0xc6: {  	v5 =	vmax.f32 v22, v25;
	v12 =	vmin.f32 v17, v4;
	v20 =	vmax.f32 v8, v16  }
0xc7: {  	v21 =	vmin.f32 v5, v4;
	v15 =	vmax.f32 v5, v12;
	v16 =	vmax.f32 v18, v23  }
0xc8: {  	v9 =	vmin.f32 v9, v19;
	v17 =	vmax.f32 v17, v10;
	v5 =	vmax.f32 v20, v21  }
0xc9: {  	v12 =	vmax.f32 v24, v9;
	v9 =	vmin.f32 v20, v4;
	v10 =	vmin.f32 v15, v1  }
0xca: {  	v0 =	vmin.f32 v17, v1  }
0xcb: {  	v18 =	vmin.f32 v16, v1;
	v14 =	vmin.f32 v14, v1;
	v7 =	vmax.f32 v7, v3  }
0xcc: {  	s29 =	sor.u32 s29, s28;
	v13 =	vmin.f32 v13, v3;
	v41 =	vand.u32 $0xFFFFFFC0, v6;
	v39 =	vand.u32 $0xFFFFFFC0, v7  }
0xcd: {  	s28 =	sor.u32 s23, s28;
	v8 =	vmin.f32 v8, v2;
	v43 =	vandn.u32 $0x3F, v6;
	v7 =	vandn.u32 $0x3F, v7;
	[tilespmem:s29+$0x4000] =	vst v39  }
0xce: {  	v45 =	vmin.f32 v11, v2;
	v10 =	vmax.f32 v5, v10;
	v14 =	vmax.f32 v16, v14;
	s30 =	sor.u32 $0x80, s28;
	[tilespmem:s29+$0x4800] =	vst v7  }
0xcf: {  	v54 =	vmin.f32 v5, v1;
	v38 =	vmax.f32 v17, v18;
	v13 =	vmax.f32 v14, v13;
	[tilespmem:s30+$0x4000] =	vst v41  }
0xd0: {  	v0 =	vmax.f32 v15, v0;
	s31 =	sor.u32 $0x4100, s29;
	v40 =	vmin.f32 v14, v3;
	[tilespmem:s30+$0x4800] =	vst v43;
	v46 =	vand.u32 $0xFFFFFFC0, v13  }
0xd1: {  	v8 =	vmax.f32 v11, v8;
	v44 =	vmax.f32 v38, v40;
	v48 =	vandn.u32 $0x3F, v13;
	[tilespmem:s31+$0x0] =	vst v46;
	s31 =	sor.u32 $0x4900, s29  }
0xd2: {  	v2 =	vmax.f32 v12, v45;
	v42 =	vmin.f32 v38, v3;
	v49 =	vand.u32 $0xFFFFFFC0, v44;
	[tilespmem:s31+$0x0] =	vst v48;
	s31 =	sor.u32 $0x180, s28  }
0xd3: {  	v53 =	vmin.f32 v10, v3;
	v47 =	vmax.f32 v0, v42;
	v50 =	vandn.u32 $0x3F, v44;
	[tilespmem:s31+$0x4000] =	vst v49  }
0xd4: {  	v4 =	vmin.f32 v8, v4;
	v0 =	vmin.f32 v0, v3;
	v52 =	vand.u32 $0xFFFFFFC0, v47;
	[tilespmem:s31+$0x4800] =	vst v50;
	s31 =	sor.u32 $0x4200, s29  }
0xd5: {  	v51 =	vmax.f32 v8, v9;
	v0 =	vmax.f32 v10, v0;
	v55 =	vandn.u32 $0x3F, v47;
	[tilespmem:s31+$0x0] =	vst v52;
	s31 =	sor.u32 $0x4A00, s29  }
0xd6: {  	s19 =	sadd.s32 $0x1, s19;
	v56 =	vmin.f32 v51, v1;
	v5 =	vmax.f32 v51, v54;
	v57 =	vand.u32 $0xFFFFFFC0, v0;
	s28 =	sor.u32 $0x280, s28;
	[tilespmem:s31+$0x0] =	vst v55  }
0xd7: {  	p0 =	sne.s32 s19, $0x10;
	v2 =	vmax.f32 v2, v4;
	v58 =	vmax.f32 v5, v53;
	v0 =	vandn.u32 $0x3F, v0;
	[tilespmem:s28+$0x4000] =	vst v57  }
.Ltmp3:
0xd8: {  	v1 =	vmax.f32 v2, v56;
	v59 =	vmin.f32 v5, v3;
	v60 =	vand.u32 $0xFFFFFFC0, v58;
	s31 =	sor.u32 $0x4300, s29;
	[tilespmem:s28+$0x4800] =	vst v0;
	(pc) =	sbr.rel @p0 .LBB2_6-.Ltmp3, $4  }
0xd9: {  	s30 =	sor.u32 $0x4B00, s29;
	v1 =	vmax.f32 v1, v59;
	v61 =	vandn.u32 $0x3F, v58;
	[tilespmem:s31+$0x0] =	vst v60;
	s31 =	sor.u32 s25, s23  }
0xda: {  	v62 =	vand.u32 $0xFFFFFFC0, v1;
	[tilespmem:s30+$0x0] =	vst v61;
	s23 =	sor.u32 $0x380, s31  }
0xdb: {  	v63 =	vandn.u32 $0x3F, v1;
	[tilespmem:s23+$0x4000] =	vst v62  }
0xdc: {  	s20 =	sadd.s32 $0x10, s20;
	s21 =	sadd.s32 $0x80, s21;
	[tilespmem:s23+$0x4800] =	vst v63  }
0xdd: {  	[hbm4b:s5+s2] =	stream.linear.scatter [tilespmem:s16], [sflag:$0x2], $0x800, $0x38;
	[tilespmem:$0x5000] =	vst v63  }
0xde: {  	s18 =	sadd.s32 $0x1, s18;
	_ =	swait.ge [sflag:s22], $0x800  }
0xdf: {  	p0 =	sne.s32 s18, s7;
	[sflag:s22] =	ssyncset.done $0x0  }
.Ltmp4:
0xe0: {  	[sflag:s22] =	ssyncadd.s32 $0xFFFFF800;
	(pc) =	sbr.rel @p0 .LBB2_1-.Ltmp4, $4  }
0xe1: {  	[hbm4b:s6+s2] =	stream.linear.scatter [tilespmem:s17], [sflag:$0x2], $0x800, $0x38;
	[tilespmem:$0x5000] =	vst v63  }
0xe2: {  	_ =	swait.ge [sflag:s22], $0x800  }
0xe3: {  	[sflag:s22] =	ssyncset.done $0x0  }
0xe4: {  	[sflag:s22] =	ssyncadd.s32 $0xFFFFF800  }
0xe5: {  	_ =	sfence.sel $0x180000  }
0xe6: {  	[bflag:$0x0] =	sbarrier.arrive $0xFFFF  }
0xe7: {  	_ =	strace $0x90000047  }
0xe8: {  	s0 =	stileid.u32;
	[bflag:$0x2] =	sbarrier.arrive $0xFFFF  }
0xe9: {  	p0 =	sne.s32 s0, $0x0;
	s0 =	rddreg [dreg:$0x3]  }
0xea: {  	s0 =	sadd.s32 @!p0 $0x100000, s0  }
0xeb: {  	[sflag:s0] =	ssyncadd.tile.s32 @!p0 $0x1;
	_ =	shalt  }
.Lfunc_end2:
_tile_overlayer_lowered:
.L_overlay_start_2:
0xec: {  	(tag) =	ssettag $0x2  }
0xed: {  	s0 =	rddreg [dreg:$0x0];
	s2 =	stileid.u32  }
0xee: {  	s1 =	rddreg [dreg:$0x1];
	p0 =	sne.s32 s2, $0x0  }
0xef: {  	s3 =	rddreg [dreg:$0x2];
	[bflag:$0x3] =	sbarrier.arrive $0xFFFF;
	s2 =	simm.s32 @!p0 $0x1C02  }
0xf0: {  	[timem:s3], [sflag:s2] =	dma.local @!p0 [hbm:s0], s1  }
0xf1: {  	s0 =	simm.s32 @!p0 $0x2  }
0xf2: {  	_ =	swait.ge @!p0 [sflag:s0], s1  }
0xf3: {  	s1 =	ssub.s32 @!p0 $0x0, s1;
	[sflag:s0] =	ssyncset.done @!p0 $0x0  }
0xf4: {  	[sflag:s0] =	ssyncadd.s32 @!p0 s1  }
0xf5: {  	[bflag:$0x3] =	sbarrier.arrive $0xFFFF  }
0xf6: {  	_ =	shalt  }

</sc_bundles>
